<compile_context>
chip_gen: v7x
topology: tpu7x:2x2x1
jax: 0.10.2.dev20260603
libtpu: 0.0.44.dev20260713+nightly
codegen_flags: <defaults>
</compile_context>

<pallas_src>
import functools

import jax
import jax.numpy as jnp
from jax import lax
from jax.experimental import pallas as pl
from jax.experimental.pallas import tpu as pltpu
from jax.experimental.pallas import tpu_sc as plsc

VOCAB = 1000000
EMBD = 64
LANE = 2 * EMBD
HALFV = VOCAB // 2
BATCH = 4096
NEGS = 20480
TOT = BATCH + NEGS

NC, NS = 2, 16
NW = NC * NS
ROWS_B = BATCH // NW
ROWS_N = NEGS // NW
IDXW = 128
NCHUNK = ROWS_N // IDXW

CH = 256
GRID = TOT // CH
POS = BATCH // CH
SUB = 4
SROWS = CH // SUB

@functools.cache
def _make_gather_x():
    mesh = plsc.VectorSubcoreMesh(core_axis_name="c", subcore_axis_name="s")
    return functools.partial(
        pl.kernel,
        mesh=mesh,
        compiler_params=pltpu.CompilerParams(use_tc_tiling_on_sc=True),
        out_type=jax.ShapeDtypeStruct((TOT, LANE), jnp.float32),
        scratch_types=[
            pltpu.VMEM((ROWS_B,), jnp.int32),
            pltpu.VMEM((ROWS_N,), jnp.int32),
            pltpu.VMEM((ROWS_B + ROWS_N, LANE), jnp.float32),
            pltpu.SemaphoreType.DMA,
        ],
    )(_gather_x_body)


def _gather_x_body(ffw_hbm, trgs_h, rand_h, x_out, idx_c, idx_r, rows, sem):
    wid = lax.axis_index("s") * NC + lax.axis_index("c")
    pltpu.sync_copy(trgs_h.at[pl.ds(wid * ROWS_B, ROWS_B)], idx_c)
    pltpu.sync_copy(rand_h.at[pl.ds(wid * ROWS_N, ROWS_N)], idx_r)
    cps = [
        pltpu.async_copy(ffw_hbm.at[idx_c], rows.at[pl.ds(0, ROWS_B)], sem),
    ]
    for j in range(NCHUNK):
        cps.append(pltpu.async_copy(
            ffw_hbm.at[idx_r.at[pl.ds(j * IDXW, IDXW)]],
            rows.at[pl.ds(ROWS_B + j * IDXW, IDXW)], sem))
    for c in cps:
        c.wait()
    pltpu.sync_copy(rows.at[pl.ds(0, ROWS_B)],
                    x_out.at[pl.ds(wid * ROWS_B, ROWS_B)])
    pltpu.sync_copy(rows.at[pl.ds(ROWS_B, ROWS_N)],
                    x_out.at[pl.ds(BATCH + wid * ROWS_N, ROWS_N)])


@functools.cache
def _make_gather_e():
    mesh = plsc.VectorSubcoreMesh(core_axis_name="c", subcore_axis_name="s")
    return functools.partial(
        pl.kernel,
        mesh=mesh,
        compiler_params=pltpu.CompilerParams(use_tc_tiling_on_sc=True),
        out_type=jax.ShapeDtypeStruct((BATCH, LANE), jnp.float32),
        scratch_types=[
            pltpu.VMEM((ROWS_B,), jnp.int32),
            pltpu.VMEM((ROWS_B, LANE), jnp.float32),
            pltpu.SemaphoreType.DMA,
        ],
    )(_gather_e_body)


def _gather_e_body(emb_hbm, inpt_h, e_out, idx_e, rows, sem):
    wid = lax.axis_index("s") * NC + lax.axis_index("c")
    pltpu.sync_copy(inpt_h.at[pl.ds(wid * ROWS_B, ROWS_B)], idx_e)
    pltpu.async_copy(emb_hbm.at[idx_e], rows, sem).wait()
    pltpu.sync_copy(rows, e_out.at[pl.ds(wid * ROWS_B, ROWS_B)])


L2E = 1.4426950408889634
LN2 = 0.6931471805599453
CHI = 16.11809565095832
ZHI2 = CHI * L2E
CLO2 = 1.00000005e-07 / LN2
W_POS = LN2 / (BATCH * BATCH)
W_NEG = LN2 / (NEGS * BATCH)


def _sel_half(lines, par):
    return jnp.where(par > 0.5, lines[:, EMBD:], lines[:, :EMBD])


SELB = 2048


def _sel_body(l_ref, p_ref, o_ref):
    o_ref[...] = _sel_half(l_ref[...], p_ref[...])


def _sel_call(n):
    return pl.pallas_call(
        _sel_body,
        grid=(n // SELB,),
        in_specs=[
            pl.BlockSpec((SELB, LANE), lambda i: (i, 0)),
            pl.BlockSpec((SELB, 1), lambda i: (i, 0)),
        ],
        out_specs=pl.BlockSpec((SELB, EMBD), lambda i: (i, 0)),
        out_shape=jax.ShapeDtypeStruct((n, EMBD), jnp.float32),
    )


def _loss_body(x_ref, e_ref, o_ref):
    i = pl.program_id(0)
    is_pos = i < POS
    s = jnp.where(is_pos, -L2E, L2E).astype(jnp.float32)
    w = jnp.where(is_pos, W_POS, W_NEG).astype(jnp.float32)

    t2 = lax.dot_general(x_ref[...] * s, e_ref[...], (((1,), (1,)), ((), ())),
                         preferred_element_type=jnp.float32)

    @pl.when(i == 0)
    def _init():
        o_ref[0, 0] = 0.0

    tot = 0.0
    for k in range(SUB):
        zc = jnp.minimum(t2[k * SROWS:(k + 1) * SROWS, :], ZHI2)
        g = jnp.log2(1.0 + jnp.exp2(zc))
        tot += jnp.sum(jnp.maximum(g, CLO2))
    o_ref[0, 0] += tot * w


_loss_call = pl.pallas_call(
    _loss_body,
    grid=(GRID,),
    in_specs=[
        pl.BlockSpec((CH, EMBD), lambda i: (i, 0)),
        pl.BlockSpec((BATCH, EMBD), lambda i: (0, 0)),
    ],
    out_specs=pl.BlockSpec(memory_space=pltpu.SMEM),
    out_shape=jax.ShapeDtypeStruct((1, 1), jnp.float32),
)


RBN2 = 2048
HSPLIT = ((HALFV + RBN2 - 1) // RBN2) * RBN2
RGRID = HSPLIT // RBN2
_BMAX = (VOCAB - HSPLIT) // RBN2


def _relayout_body(a_ref, b_ref, o_ref):
    o_ref[...] = jnp.concatenate([a_ref[...].T, b_ref[...].T], axis=1)


_relayout_call = pl.pallas_call(
    _relayout_body,
    grid=(RGRID,),
    in_specs=[
        pl.BlockSpec((EMBD, RBN2), lambda i: (0, i)),
        pl.BlockSpec((EMBD, RBN2),
                     lambda i: (0, jnp.minimum(i + RGRID, RGRID + _BMAX))),
    ],
    out_specs=pl.BlockSpec((RBN2, LANE), lambda i: (i, 0)),
    out_shape=jax.ShapeDtypeStruct((HSPLIT, LANE), jnp.float32),
)


def kernel(inpt, trgs, rand, emb_table, ffw_weight):
    inpt = inpt.astype(jnp.int32)
    trgs = trgs.astype(jnp.int32)
    rand = rand.astype(jnp.int32)

    def line(v):
        return jnp.where(v < HSPLIT, v, v - HSPLIT)

    ffwt = ffw_weight.T
    ffw2 = _relayout_call(ffwt, ffwt)
    x_all = _make_gather_x()(ffw2, line(trgs), line(rand))
    embt = emb_table.T
    emb2 = _relayout_call(embt, embt)
    e_all = _make_gather_e()(emb2, line(inpt))
    px = jnp.concatenate([trgs, rand]) >= HSPLIT
    pe = inpt >= HSPLIT
    x_sel = _sel_call(TOT)(x_all, px.astype(jnp.float32)[:, None])
    e_sel = _sel_call(BATCH)(e_all, pe.astype(jnp.float32)[:, None])
    loss = _loss_call(x_sel, e_sel)
    return loss[0, 0]

# --- scband reference (transcript-rebuilt; emitter-appended) ---
"""Pipeline reference for scband-skip-gram-foo-14508399526409 (READ-ONLY COPY).

The authoritative reference and input builder live on the scoring server;
editing this copy changes nothing except your own understanding.
"""

import jax, jax.numpy as jnp
import numpy as np

VOC = 1000000
EMB = 64
B = 4096
NEG = 20480


def setup_inputs(seed: int = 0) -> dict:
    key = jax.random.key(seed)
    k1, k2, k3, k4, k5 = jax.random.split(key, 5)
    inpt = jax.random.randint(k1, (B,), 0, VOC, dtype=jnp.int64 if jax.config.jax_enable_x64 else jnp.int32)
    trgs = jax.random.randint(k2, (B,), 0, VOC, dtype=inpt.dtype)
    rand = jax.random.randint(k3, (NEG,), 0, VOC, dtype=inpt.dtype)
    emb_table = jax.random.normal(k4, (VOC, EMB), dtype=jnp.float32)
    ffw_weight = jax.random.normal(k5, (VOC, EMB), dtype=jnp.float32) * 0.02
    return {"inpt": inpt, "trgs": trgs, "rand": rand, "emb_table": emb_table, "ffw_weight": ffw_weight}


def reference(inpt, trgs, rand, emb_table, ffw_weight):
    emb = jnp.take(emb_table, inpt, axis=0)          # [B, EMB] gather
    ctx = jnp.take(ffw_weight, trgs, axis=0)         # [B, EMB] gather
    rnd = jnp.take(ffw_weight, rand, axis=0)         # [NEG, EMB] gather
    out = ctx @ emb.T                                # [B, B]
    rnd2 = rnd @ emb.T                               # [NEG, B]
    out = jnp.clip(jax.nn.sigmoid(out), 1e-07, 1 - 1e-07)
    rnd2 = jnp.clip(jax.nn.sigmoid(rnd2), 1e-07, 1 - 1e-07)
    pst = -jnp.log(out).mean()
    ngt = -jnp.log(1.0 - rnd2).mean()
    return pst + ngt

if __name__ == "__main__":
    import jax
    _d = setup_inputs()
    print(jax.jit(kernel)(*tuple(_d.values())))

</pallas_src>

<mosaic_0001>
#map = affine_map<(d0, d1) -> (0, 0)>
#map1 = affine_map<(d0, d1) -> (0)>
module attributes {stable_mosaic.version = 14 : i64} {
  func.func @_gather_x_body(%arg0: i32, %arg1: i32, %arg2: memref<501760x128xf32, #tpu.memory_space<hbm>>, %arg3: memref<4096xi32, #tpu.memory_space<hbm>>, %arg4: memref<20480xi32, #tpu.memory_space<hbm>>, %arg5: memref<24576x128xf32, #tpu.memory_space<hbm>>, %arg6: memref<128xi32, #tpu.memory_space<vmem>>, %arg7: memref<640xi32, #tpu.memory_space<vmem>>, %arg8: memref<768x128xf32, #tpu.memory_space<vmem>>, %arg9: memref<!tpu.dma_semaphore, #tpu.memory_space<semaphore_mem>>) attributes {dimension_semantics = [#tpu.dimension_semantics<core_parallel>, #tpu.dimension_semantics<subcore_parallel>], iteration_bounds = array<i64: 2, 16>, scalar_prefetch = 0 : i64, scratch_operands = 4 : i64, tpu.core_type = #tpu.core_type<sc_vector_subcore>, window_params = [{transform_indices = #map}, {transform_indices = #map1}, {transform_indices = #map1}, {transform_indices = #map}]} {
    %mul3A = arith.constant 2 : i32
    %mul3A_0 = arith.muli %arg1, %mul3A : i32
    %add3A = arith.addi %mul3A_0, %arg0 : i32
    %mul3A_1 = arith.constant 128 : i32
    %mul3A_2 = arith.muli %add3A, %mul3A_1 : i32
    "tpu.region"() ({
      %run_scoped3A = tpu.sem_alloc : memref<!tpu.dma_semaphore, #tpu.memory_space<semaphore_mem>>
      %dma_start3A_101 = tpu.memref_slice %arg3[%mul3A_2] : memref<4096xi32, #tpu.memory_space<hbm>> -> memref<128xi32, #tpu.memory_space<hbm>>
      %dma_start3A_102 = tpu.memref_slice %arg3[%mul3A_2] : memref<4096xi32, #tpu.memory_space<hbm>> -> memref<128xi32, #tpu.memory_space<hbm>>
      tpu.enqueue_dma source(%dma_start3A_102 : memref<128xi32, #tpu.memory_space<hbm>>) target(%arg6 : memref<128xi32, #tpu.memory_space<vmem>>) target_semaphore(%run_scoped3A : memref<!tpu.dma_semaphore, #tpu.memory_space<semaphore_mem>>)
      %dma_wait3A_103 = tpu.memref_slice %arg3[%mul3A_2] : memref<4096xi32, #tpu.memory_space<hbm>> -> memref<128xi32, #tpu.memory_space<hbm>>
      %dma_wait3A_104 = tpu.memref_slice %arg3[%mul3A_2] : memref<4096xi32, #tpu.memory_space<hbm>> -> memref<128xi32, #tpu.memory_space<hbm>>
      tpu.wait_dma2 semaphore(%run_scoped3A : memref<!tpu.dma_semaphore, #tpu.memory_space<semaphore_mem>>) src(%dma_wait3A_104 : memref<128xi32, #tpu.memory_space<hbm>>) dst(%arg6 : memref<128xi32, #tpu.memory_space<vmem>>)
      tpu.yield
    }) : () -> ()
    %mul3A_3 = arith.constant 640 : i32
    %mul3A_4 = arith.muli %add3A, %mul3A_3 : i32
    "tpu.region"() ({
      %run_scoped3A = tpu.sem_alloc : memref<!tpu.dma_semaphore, #tpu.memory_space<semaphore_mem>>
      %dma_start3A_101 = tpu.memref_slice %arg4[%mul3A_4] : memref<20480xi32, #tpu.memory_space<hbm>> -> memref<640xi32, #tpu.memory_space<hbm>>
      %dma_start3A_102 = tpu.memref_slice %arg4[%mul3A_4] : memref<20480xi32, #tpu.memory_space<hbm>> -> memref<640xi32, #tpu.memory_space<hbm>>
      tpu.enqueue_dma source(%dma_start3A_102 : memref<640xi32, #tpu.memory_space<hbm>>) target(%arg7 : memref<640xi32, #tpu.memory_space<vmem>>) target_semaphore(%run_scoped3A : memref<!tpu.dma_semaphore, #tpu.memory_space<semaphore_mem>>)
      %dma_wait3A_103 = tpu.memref_slice %arg4[%mul3A_4] : memref<20480xi32, #tpu.memory_space<hbm>> -> memref<640xi32, #tpu.memory_space<hbm>>
      %dma_wait3A_104 = tpu.memref_slice %arg4[%mul3A_4] : memref<20480xi32, #tpu.memory_space<hbm>> -> memref<640xi32, #tpu.memory_space<hbm>>
      tpu.wait_dma2 semaphore(%run_scoped3A : memref<!tpu.dma_semaphore, #tpu.memory_space<semaphore_mem>>) src(%dma_wait3A_104 : memref<640xi32, #tpu.memory_space<hbm>>) dst(%arg7 : memref<640xi32, #tpu.memory_space<vmem>>)
      tpu.yield
    }) : () -> ()
    %dma_start3A = arith.constant 0 : i32
    %dma_start3A_5 = arith.constant 0 : i32
    %dma_start3A_6 = tpu.memref_slice %arg8[%dma_start3A, %dma_start3A_5] : memref<768x128xf32, #tpu.memory_space<vmem>> -> memref<128x128xf32, #tpu.memory_space<vmem>>
    %dma_start3A_7 = arith.constant 0 : i32
    %dma_start3A_8 = arith.constant 0 : i32
    %dma_start3A_9 = tpu.memref_slice %arg2[%dma_start3A_7, %dma_start3A_8] : memref<501760x128xf32, #tpu.memory_space<hbm>> -> memref<501760x128xf32, #tpu.memory_space<hbm>>
    tpu.enqueue_indirect_dma source(%dma_start3A_9 : memref<501760x128xf32, #tpu.memory_space<hbm>>) target(%dma_start3A_6 : memref<128x128xf32, #tpu.memory_space<vmem>>) offsets(%arg6 : memref<128xi32, #tpu.memory_space<vmem>>) semaphore(%arg9 : memref<!tpu.dma_semaphore, #tpu.memory_space<semaphore_mem>>)
    %dma_start3A_10 = arith.constant 128 : i32
    %dma_start3A_11 = arith.constant 0 : i32
    %dma_start3A_12 = tpu.memref_slice %arg8[%dma_start3A_10, %dma_start3A_11] : memref<768x128xf32, #tpu.memory_space<vmem>> -> memref<128x128xf32, #tpu.memory_space<vmem>>
    %dma_start3A_13 = arith.constant 0 : i32
    %dma_start3A_14 = tpu.memref_slice %arg7[%dma_start3A_13] : memref<640xi32, #tpu.memory_space<vmem>> -> memref<128xi32, #tpu.memory_space<vmem>>
    %dma_start3A_15 = arith.constant 0 : i32
    %dma_start3A_16 = arith.constant 0 : i32
    %dma_start3A_17 = tpu.memref_slice %arg2[%dma_start3A_15, %dma_start3A_16] : memref<501760x128xf32, #tpu.memory_space<hbm>> -> memref<501760x128xf32, #tpu.memory_space<hbm>>
    tpu.enqueue_indirect_dma source(%dma_start3A_17 : memref<501760x128xf32, #tpu.memory_space<hbm>>) target(%dma_start3A_12 : memref<128x128xf32, #tpu.memory_space<vmem>>) offsets(%dma_start3A_14 : memref<128xi32, #tpu.memory_space<vmem>>) semaphore(%arg9 : memref<!tpu.dma_semaphore, #tpu.memory_space<semaphore_mem>>)
    %dma_start3A_18 = arith.constant 256 : i32
    %dma_start3A_19 = arith.constant 0 : i32
    %dma_start3A_20 = tpu.memref_slice %arg8[%dma_start3A_18, %dma_start3A_19] : memref<768x128xf32, #tpu.memory_space<vmem>> -> memref<128x128xf32, #tpu.memory_space<vmem>>
    %dma_start3A_21 = arith.constant 128 : i32
    %dma_start3A_22 = tpu.memref_slice %arg7[%dma_start3A_21] : memref<640xi32, #tpu.memory_space<vmem>> -> memref<128xi32, #tpu.memory_space<vmem>>
    %dma_start3A_23 = arith.constant 0 : i32
    %dma_start3A_24 = arith.constant 0 : i32
    %dma_start3A_25 = tpu.memref_slice %arg2[%dma_start3A_23, %dma_start3A_24] : memref<501760x128xf32, #tpu.memory_space<hbm>> -> memref<501760x128xf32, #tpu.memory_space<hbm>>
    tpu.enqueue_indirect_dma source(%dma_start3A_25 : memref<501760x128xf32, #tpu.memory_space<hbm>>) target(%dma_start3A_20 : memref<128x128xf32, #tpu.memory_space<vmem>>) offsets(%dma_start3A_22 : memref<128xi32, #tpu.memory_space<vmem>>) semaphore(%arg9 : memref<!tpu.dma_semaphore, #tpu.memory_space<semaphore_mem>>)
    %dma_start3A_26 = arith.constant 384 : i32
    %dma_start3A_27 = arith.constant 0 : i32
    %dma_start3A_28 = tpu.memref_slice %arg8[%dma_start3A_26, %dma_start3A_27] : memref<768x128xf32, #tpu.memory_space<vmem>> -> memref<128x128xf32, #tpu.memory_space<vmem>>
    %dma_start3A_29 = arith.constant 256 : i32
    %dma_start3A_30 = tpu.memref_slice %arg7[%dma_start3A_29] : memref<640xi32, #tpu.memory_space<vmem>> -> memref<128xi32, #tpu.memory_space<vmem>>
    %dma_start3A_31 = arith.constant 0 : i32
    %dma_start3A_32 = arith.constant 0 : i32
    %dma_start3A_33 = tpu.memref_slice %arg2[%dma_start3A_31, %dma_start3A_32] : memref<501760x128xf32, #tpu.memory_space<hbm>> -> memref<501760x128xf32, #tpu.memory_space<hbm>>
    tpu.enqueue_indirect_dma source(%dma_start3A_33 : memref<501760x128xf32, #tpu.memory_space<hbm>>) target(%dma_start3A_28 : memref<128x128xf32, #tpu.memory_space<vmem>>) offsets(%dma_start3A_30 : memref<128xi32, #tpu.memory_space<vmem>>) semaphore(%arg9 : memref<!tpu.dma_semaphore, #tpu.memory_space<semaphore_mem>>)
    %dma_start3A_34 = arith.constant 512 : i32
    %dma_start3A_35 = arith.constant 0 : i32
    %dma_start3A_36 = tpu.memref_slice %arg8[%dma_start3A_34, %dma_start3A_35] : memref<768x128xf32, #tpu.memory_space<vmem>> -> memref<128x128xf32, #tpu.memory_space<vmem>>
    %dma_start3A_37 = arith.constant 384 : i32
    %dma_start3A_38 = tpu.memref_slice %arg7[%dma_start3A_37] : memref<640xi32, #tpu.memory_space<vmem>> -> memref<128xi32, #tpu.memory_space<vmem>>
    %dma_start3A_39 = arith.constant 0 : i32
    %dma_start3A_40 = arith.constant 0 : i32
    %dma_start3A_41 = tpu.memref_slice %arg2[%dma_start3A_39, %dma_start3A_40] : memref<501760x128xf32, #tpu.memory_space<hbm>> -> memref<501760x128xf32, #tpu.memory_space<hbm>>
    tpu.enqueue_indirect_dma source(%dma_start3A_41 : memref<501760x128xf32, #tpu.memory_space<hbm>>) target(%dma_start3A_36 : memref<128x128xf32, #tpu.memory_space<vmem>>) offsets(%dma_start3A_38 : memref<128xi32, #tpu.memory_space<vmem>>) semaphore(%arg9 : memref<!tpu.dma_semaphore, #tpu.memory_space<semaphore_mem>>)
    %dma_start3A_42 = arith.constant 640 : i32
    %dma_start3A_43 = arith.constant 0 : i32
    %dma_start3A_44 = tpu.memref_slice %arg8[%dma_start3A_42, %dma_start3A_43] : memref<768x128xf32, #tpu.memory_space<vmem>> -> memref<128x128xf32, #tpu.memory_space<vmem>>
    %dma_start3A_45 = arith.constant 512 : i32
    %dma_start3A_46 = tpu.memref_slice %arg7[%dma_start3A_45] : memref<640xi32, #tpu.memory_space<vmem>> -> memref<128xi32, #tpu.memory_space<vmem>>
    %dma_start3A_47 = arith.constant 0 : i32
    %dma_start3A_48 = arith.constant 0 : i32
    %dma_start3A_49 = tpu.memref_slice %arg2[%dma_start3A_47, %dma_start3A_48] : memref<501760x128xf32, #tpu.memory_space<hbm>> -> memref<501760x128xf32, #tpu.memory_space<hbm>>
    tpu.enqueue_indirect_dma source(%dma_start3A_49 : memref<501760x128xf32, #tpu.memory_space<hbm>>) target(%dma_start3A_44 : memref<128x128xf32, #tpu.memory_space<vmem>>) offsets(%dma_start3A_46 : memref<128xi32, #tpu.memory_space<vmem>>) semaphore(%arg9 : memref<!tpu.dma_semaphore, #tpu.memory_space<semaphore_mem>>)
    %dma_wait3A = arith.constant 0 : i32
    %dma_wait3A_50 = arith.constant 0 : i32
    %dma_wait3A_51 = tpu.memref_slice %arg8[%dma_wait3A, %dma_wait3A_50] : memref<768x128xf32, #tpu.memory_space<vmem>> -> memref<128x128xf32, #tpu.memory_space<vmem>>
    %dma_wait3A_52 = arith.constant 0 : i32
    %dma_wait3A_53 = arith.constant 0 : i32
    %dma_wait3A_54 = tpu.memref_slice %arg2[%dma_wait3A_52, %dma_wait3A_53] : memref<501760x128xf32, #tpu.memory_space<hbm>> -> memref<501760x128xf32, #tpu.memory_space<hbm>>
    tpu.wait_indirect_dma semaphore(%arg9 : memref<!tpu.dma_semaphore, #tpu.memory_space<semaphore_mem>>) src(%dma_wait3A_54 : memref<501760x128xf32, #tpu.memory_space<hbm>>) dst(%dma_wait3A_51 : memref<128x128xf32, #tpu.memory_space<vmem>>)
    %dma_wait3A_55 = arith.constant 128 : i32
    %dma_wait3A_56 = arith.constant 0 : i32
    %dma_wait3A_57 = tpu.memref_slice %arg8[%dma_wait3A_55, %dma_wait3A_56] : memref<768x128xf32, #tpu.memory_space<vmem>> -> memref<128x128xf32, #tpu.memory_space<vmem>>
    %dma_wait3A_58 = arith.constant 0 : i32
    %dma_wait3A_59 = tpu.memref_slice %arg7[%dma_wait3A_58] : memref<640xi32, #tpu.memory_space<vmem>> -> memref<128xi32, #tpu.memory_space<vmem>>
    %dma_wait3A_60 = arith.constant 0 : i32
    %dma_wait3A_61 = arith.constant 0 : i32
    %dma_wait3A_62 = tpu.memref_slice %arg2[%dma_wait3A_60, %dma_wait3A_61] : memref<501760x128xf32, #tpu.memory_space<hbm>> -> memref<501760x128xf32, #tpu.memory_space<hbm>>
    tpu.wait_indirect_dma semaphore(%arg9 : memref<!tpu.dma_semaphore, #tpu.memory_space<semaphore_mem>>) src(%dma_wait3A_62 : memref<501760x128xf32, #tpu.memory_space<hbm>>) dst(%dma_wait3A_57 : memref<128x128xf32, #tpu.memory_space<vmem>>)
    %dma_wait3A_63 = arith.constant 256 : i32
    %dma_wait3A_64 = arith.constant 0 : i32
    %dma_wait3A_65 = tpu.memref_slice %arg8[%dma_wait3A_63, %dma_wait3A_64] : memref<768x128xf32, #tpu.memory_space<vmem>> -> memref<128x128xf32, #tpu.memory_space<vmem>>
    %dma_wait3A_66 = arith.constant 128 : i32
    %dma_wait3A_67 = tpu.memref_slice %arg7[%dma_wait3A_66] : memref<640xi32, #tpu.memory_space<vmem>> -> memref<128xi32, #tpu.memory_space<vmem>>
    %dma_wait3A_68 = arith.constant 0 : i32
    %dma_wait3A_69 = arith.constant 0 : i32
    %dma_wait3A_70 = tpu.memref_slice %arg2[%dma_wait3A_68, %dma_wait3A_69] : memref<501760x128xf32, #tpu.memory_space<hbm>> -> memref<501760x128xf32, #tpu.memory_space<hbm>>
    tpu.wait_indirect_dma semaphore(%arg9 : memref<!tpu.dma_semaphore, #tpu.memory_space<semaphore_mem>>) src(%dma_wait3A_70 : memref<501760x128xf32, #tpu.memory_space<hbm>>) dst(%dma_wait3A_65 : memref<128x128xf32, #tpu.memory_space<vmem>>)
    %dma_wait3A_71 = arith.constant 384 : i32
    %dma_wait3A_72 = arith.constant 0 : i32
    %dma_wait3A_73 = tpu.memref_slice %arg8[%dma_wait3A_71, %dma_wait3A_72] : memref<768x128xf32, #tpu.memory_space<vmem>> -> memref<128x128xf32, #tpu.memory_space<vmem>>
    %dma_wait3A_74 = arith.constant 256 : i32
    %dma_wait3A_75 = tpu.memref_slice %arg7[%dma_wait3A_74] : memref<640xi32, #tpu.memory_space<vmem>> -> memref<128xi32, #tpu.memory_space<vmem>>
    %dma_wait3A_76 = arith.constant 0 : i32
    %dma_wait3A_77 = arith.constant 0 : i32
    %dma_wait3A_78 = tpu.memref_slice %arg2[%dma_wait3A_76, %dma_wait3A_77] : memref<501760x128xf32, #tpu.memory_space<hbm>> -> memref<501760x128xf32, #tpu.memory_space<hbm>>
    tpu.wait_indirect_dma semaphore(%arg9 : memref<!tpu.dma_semaphore, #tpu.memory_space<semaphore_mem>>) src(%dma_wait3A_78 : memref<501760x128xf32, #tpu.memory_space<hbm>>) dst(%dma_wait3A_73 : memref<128x128xf32, #tpu.memory_space<vmem>>)
    %dma_wait3A_79 = arith.constant 512 : i32
    %dma_wait3A_80 = arith.constant 0 : i32
    %dma_wait3A_81 = tpu.memref_slice %arg8[%dma_wait3A_79, %dma_wait3A_80] : memref<768x128xf32, #tpu.memory_space<vmem>> -> memref<128x128xf32, #tpu.memory_space<vmem>>
    %dma_wait3A_82 = arith.constant 384 : i32
    %dma_wait3A_83 = tpu.memref_slice %arg7[%dma_wait3A_82] : memref<640xi32, #tpu.memory_space<vmem>> -> memref<128xi32, #tpu.memory_space<vmem>>
    %dma_wait3A_84 = arith.constant 0 : i32
    %dma_wait3A_85 = arith.constant 0 : i32
    %dma_wait3A_86 = tpu.memref_slice %arg2[%dma_wait3A_84, %dma_wait3A_85] : memref<501760x128xf32, #tpu.memory_space<hbm>> -> memref<501760x128xf32, #tpu.memory_space<hbm>>
    tpu.wait_indirect_dma semaphore(%arg9 : memref<!tpu.dma_semaphore, #tpu.memory_space<semaphore_mem>>) src(%dma_wait3A_86 : memref<501760x128xf32, #tpu.memory_space<hbm>>) dst(%dma_wait3A_81 : memref<128x128xf32, #tpu.memory_space<vmem>>)
    %dma_wait3A_87 = arith.constant 640 : i32
    %dma_wait3A_88 = arith.constant 0 : i32
    %dma_wait3A_89 = tpu.memref_slice %arg8[%dma_wait3A_87, %dma_wait3A_88] : memref<768x128xf32, #tpu.memory_space<vmem>> -> memref<128x128xf32, #tpu.memory_space<vmem>>
    %dma_wait3A_90 = arith.constant 512 : i32
    %dma_wait3A_91 = tpu.memref_slice %arg7[%dma_wait3A_90] : memref<640xi32, #tpu.memory_space<vmem>> -> memref<128xi32, #tpu.memory_space<vmem>>
    %dma_wait3A_92 = arith.constant 0 : i32
    %dma_wait3A_93 = arith.constant 0 : i32
    %dma_wait3A_94 = tpu.memref_slice %arg2[%dma_wait3A_92, %dma_wait3A_93] : memref<501760x128xf32, #tpu.memory_space<hbm>> -> memref<501760x128xf32, #tpu.memory_space<hbm>>
    tpu.wait_indirect_dma semaphore(%arg9 : memref<!tpu.dma_semaphore, #tpu.memory_space<semaphore_mem>>) src(%dma_wait3A_94 : memref<501760x128xf32, #tpu.memory_space<hbm>>) dst(%dma_wait3A_89 : memref<128x128xf32, #tpu.memory_space<vmem>>)
    %mul3A_95 = arith.constant 128 : i32
    %mul3A_96 = arith.muli %add3A, %mul3A_95 : i32
    "tpu.region"() ({
      %run_scoped3A = tpu.sem_alloc : memref<!tpu.dma_semaphore, #tpu.memory_space<semaphore_mem>>
      %dma_start3A_101 = arith.constant 0 : i32
      %dma_start3A_102 = arith.constant 0 : i32
      %dma_start3A_103 = tpu.memref_slice %arg8[%dma_start3A_101, %dma_start3A_102] : memref<768x128xf32, #tpu.memory_space<vmem>> -> memref<128x128xf32, #tpu.memory_space<vmem>>
      %dma_start3A_104 = arith.constant 0 : i32
      %dma_start3A_105 = tpu.memref_slice %arg5[%mul3A_96, %dma_start3A_104] : memref<24576x128xf32, #tpu.memory_space<hbm>> -> memref<128x128xf32, #tpu.memory_space<hbm>>
      %dma_start3A_106 = arith.constant 0 : i32
      %dma_start3A_107 = tpu.memref_slice %arg5[%mul3A_96, %dma_start3A_106] : memref<24576x128xf32, #tpu.memory_space<hbm>> -> memref<128x128xf32, #tpu.memory_space<hbm>>
      %dma_start3A_108 = arith.constant 0 : i32
      %dma_start3A_109 = arith.constant 0 : i32
      %dma_start3A_110 = tpu.memref_slice %arg8[%dma_start3A_108, %dma_start3A_109] : memref<768x128xf32, #tpu.memory_space<vmem>> -> memref<128x128xf32, #tpu.memory_space<vmem>>
      tpu.enqueue_dma source(%dma_start3A_110 : memref<128x128xf32, #tpu.memory_space<vmem>>) target(%dma_start3A_107 : memref<128x128xf32, #tpu.memory_space<hbm>>) target_semaphore(%run_scoped3A : memref<!tpu.dma_semaphore, #tpu.memory_space<semaphore_mem>>)
      %dma_wait3A_111 = arith.constant 0 : i32
      %dma_wait3A_112 = arith.constant 0 : i32
      %dma_wait3A_113 = tpu.memref_slice %arg8[%dma_wait3A_111, %dma_wait3A_112] : memref<768x128xf32, #tpu.memory_space<vmem>> -> memref<128x128xf32, #tpu.memory_space<vmem>>
      %dma_wait3A_114 = arith.constant 0 : i32
      %dma_wait3A_115 = tpu.memref_slice %arg5[%mul3A_96, %dma_wait3A_114] : memref<24576x128xf32, #tpu.memory_space<hbm>> -> memref<128x128xf32, #tpu.memory_space<hbm>>
      %dma_wait3A_116 = arith.constant 0 : i32
      %dma_wait3A_117 = tpu.memref_slice %arg5[%mul3A_96, %dma_wait3A_116] : memref<24576x128xf32, #tpu.memory_space<hbm>> -> memref<128x128xf32, #tpu.memory_space<hbm>>
      %dma_wait3A_118 = arith.constant 0 : i32
      %dma_wait3A_119 = arith.constant 0 : i32
      %dma_wait3A_120 = tpu.memref_slice %arg8[%dma_wait3A_118, %dma_wait3A_119] : memref<768x128xf32, #tpu.memory_space<vmem>> -> memref<128x128xf32, #tpu.memory_space<vmem>>
      tpu.wait_dma2 semaphore(%run_scoped3A : memref<!tpu.dma_semaphore, #tpu.memory_space<semaphore_mem>>) src(%dma_wait3A_120 : memref<128x128xf32, #tpu.memory_space<vmem>>) dst(%dma_wait3A_117 : memref<128x128xf32, #tpu.memory_space<hbm>>)
      tpu.yield
    }) : () -> ()
    %mul3A_97 = arith.constant 640 : i32
    %mul3A_98 = arith.muli %add3A, %mul3A_97 : i32
    %add3A_99 = arith.constant 4096 : i32
    %add3A_100 = arith.addi %add3A_99, %mul3A_98 : i32
    "tpu.region"() ({
      %run_scoped3A = tpu.sem_alloc : memref<!tpu.dma_semaphore, #tpu.memory_space<semaphore_mem>>
      %dma_start3A_101 = arith.constant 128 : i32
      %dma_start3A_102 = arith.constant 0 : i32
      %dma_start3A_103 = tpu.memref_slice %arg8[%dma_start3A_101, %dma_start3A_102] : memref<768x128xf32, #tpu.memory_space<vmem>> -> memref<640x128xf32, #tpu.memory_space<vmem>>
      %dma_start3A_104 = arith.constant 0 : i32
      %dma_start3A_105 = tpu.memref_slice %arg5[%add3A_100, %dma_start3A_104] : memref<24576x128xf32, #tpu.memory_space<hbm>> -> memref<640x128xf32, #tpu.memory_space<hbm>>
      %dma_start3A_106 = arith.constant 0 : i32
      %dma_start3A_107 = tpu.memref_slice %arg5[%add3A_100, %dma_start3A_106] : memref<24576x128xf32, #tpu.memory_space<hbm>> -> memref<640x128xf32, #tpu.memory_space<hbm>>
      %dma_start3A_108 = arith.constant 128 : i32
      %dma_start3A_109 = arith.constant 0 : i32
      %dma_start3A_110 = tpu.memref_slice %arg8[%dma_start3A_108, %dma_start3A_109] : memref<768x128xf32, #tpu.memory_space<vmem>> -> memref<640x128xf32, #tpu.memory_space<vmem>>
      tpu.enqueue_dma source(%dma_start3A_110 : memref<640x128xf32, #tpu.memory_space<vmem>>) target(%dma_start3A_107 : memref<640x128xf32, #tpu.memory_space<hbm>>) target_semaphore(%run_scoped3A : memref<!tpu.dma_semaphore, #tpu.memory_space<semaphore_mem>>)
      %dma_wait3A_111 = arith.constant 128 : i32
      %dma_wait3A_112 = arith.constant 0 : i32
      %dma_wait3A_113 = tpu.memref_slice %arg8[%dma_wait3A_111, %dma_wait3A_112] : memref<768x128xf32, #tpu.memory_space<vmem>> -> memref<640x128xf32, #tpu.memory_space<vmem>>
      %dma_wait3A_114 = arith.constant 0 : i32
      %dma_wait3A_115 = tpu.memref_slice %arg5[%add3A_100, %dma_wait3A_114] : memref<24576x128xf32, #tpu.memory_space<hbm>> -> memref<640x128xf32, #tpu.memory_space<hbm>>
      %dma_wait3A_116 = arith.constant 0 : i32
      %dma_wait3A_117 = tpu.memref_slice %arg5[%add3A_100, %dma_wait3A_116] : memref<24576x128xf32, #tpu.memory_space<hbm>> -> memref<640x128xf32, #tpu.memory_space<hbm>>
      %dma_wait3A_118 = arith.constant 128 : i32
      %dma_wait3A_119 = arith.constant 0 : i32
      %dma_wait3A_120 = tpu.memref_slice %arg8[%dma_wait3A_118, %dma_wait3A_119] : memref<768x128xf32, #tpu.memory_space<vmem>> -> memref<640x128xf32, #tpu.memory_space<vmem>>
      tpu.wait_dma2 semaphore(%run_scoped3A : memref<!tpu.dma_semaphore, #tpu.memory_space<semaphore_mem>>) src(%dma_wait3A_120 : memref<640x128xf32, #tpu.memory_space<vmem>>) dst(%dma_wait3A_117 : memref<640x128xf32, #tpu.memory_space<hbm>>)
      tpu.yield
    }) : () -> ()
    return
  }
}

#map = affine_map<(d0, d1) -> (0, 0)>
#map1 = affine_map<(d0, d1) -> (0)>
module attributes {stable_mosaic.version = 14 : i64} {
  func.func @_gather_e_body(%arg0: i32, %arg1: i32, %arg2: memref<501760x128xf32, #tpu.memory_space<hbm>>, %arg3: memref<4096xi32, #tpu.memory_space<hbm>>, %arg4: memref<4096x128xf32, #tpu.memory_space<hbm>>, %arg5: memref<128xi32, #tpu.memory_space<vmem>>, %arg6: memref<128x128xf32, #tpu.memory_space<vmem>>, %arg7: memref<!tpu.dma_semaphore, #tpu.memory_space<semaphore_mem>>) attributes {dimension_semantics = [#tpu.dimension_semantics<core_parallel>, #tpu.dimension_semantics<subcore_parallel>], iteration_bounds = array<i64: 2, 16>, scalar_prefetch = 0 : i64, scratch_operands = 3 : i64, tpu.core_type = #tpu.core_type<sc_vector_subcore>, window_params = [{transform_indices = #map}, {transform_indices = #map1}, {transform_indices = #map}]} {
    %mul3A = arith.constant 2 : i32
    %mul3A_0 = arith.muli %arg1, %mul3A : i32
    %add3A = arith.addi %mul3A_0, %arg0 : i32
    %mul3A_1 = arith.constant 128 : i32
    %mul3A_2 = arith.muli %add3A, %mul3A_1 : i32
    "tpu.region"() ({
      %run_scoped3A = tpu.sem_alloc : memref<!tpu.dma_semaphore, #tpu.memory_space<semaphore_mem>>
      %dma_start3A_9 = tpu.memref_slice %arg3[%mul3A_2] : memref<4096xi32, #tpu.memory_space<hbm>> -> memref<128xi32, #tpu.memory_space<hbm>>
      %dma_start3A_10 = tpu.memref_slice %arg3[%mul3A_2] : memref<4096xi32, #tpu.memory_space<hbm>> -> memref<128xi32, #tpu.memory_space<hbm>>
      tpu.enqueue_dma source(%dma_start3A_10 : memref<128xi32, #tpu.memory_space<hbm>>) target(%arg5 : memref<128xi32, #tpu.memory_space<vmem>>) target_semaphore(%run_scoped3A : memref<!tpu.dma_semaphore, #tpu.memory_space<semaphore_mem>>)
      %dma_wait3A_11 = tpu.memref_slice %arg3[%mul3A_2] : memref<4096xi32, #tpu.memory_space<hbm>> -> memref<128xi32, #tpu.memory_space<hbm>>
      %dma_wait3A_12 = tpu.memref_slice %arg3[%mul3A_2] : memref<4096xi32, #tpu.memory_space<hbm>> -> memref<128xi32, #tpu.memory_space<hbm>>
      tpu.wait_dma2 semaphore(%run_scoped3A : memref<!tpu.dma_semaphore, #tpu.memory_space<semaphore_mem>>) src(%dma_wait3A_12 : memref<128xi32, #tpu.memory_space<hbm>>) dst(%arg5 : memref<128xi32, #tpu.memory_space<vmem>>)
      tpu.yield
    }) : () -> ()
    %dma_start3A = arith.constant 0 : i32
    %dma_start3A_3 = arith.constant 0 : i32
    %dma_start3A_4 = tpu.memref_slice %arg2[%dma_start3A, %dma_start3A_3] : memref<501760x128xf32, #tpu.memory_space<hbm>> -> memref<501760x128xf32, #tpu.memory_space<hbm>>
    tpu.enqueue_indirect_dma source(%dma_start3A_4 : memref<501760x128xf32, #tpu.memory_space<hbm>>) target(%arg6 : memref<128x128xf32, #tpu.memory_space<vmem>>) offsets(%arg5 : memref<128xi32, #tpu.memory_space<vmem>>) semaphore(%arg7 : memref<!tpu.dma_semaphore, #tpu.memory_space<semaphore_mem>>)
    %dma_wait3A = arith.constant 0 : i32
    %dma_wait3A_5 = arith.constant 0 : i32
    %dma_wait3A_6 = tpu.memref_slice %arg2[%dma_wait3A, %dma_wait3A_5] : memref<501760x128xf32, #tpu.memory_space<hbm>> -> memref<501760x128xf32, #tpu.memory_space<hbm>>
    tpu.wait_indirect_dma semaphore(%arg7 : memref<!tpu.dma_semaphore, #tpu.memory_space<semaphore_mem>>) src(%dma_wait3A_6 : memref<501760x128xf32, #tpu.memory_space<hbm>>) dst(%arg6 : memref<128x128xf32, #tpu.memory_space<vmem>>)
    %mul3A_7 = arith.constant 128 : i32
    %mul3A_8 = arith.muli %add3A, %mul3A_7 : i32
    "tpu.region"() ({
      %run_scoped3A = tpu.sem_alloc : memref<!tpu.dma_semaphore, #tpu.memory_space<semaphore_mem>>
      %dma_start3A_9 = arith.constant 0 : i32
      %dma_start3A_10 = tpu.memref_slice %arg4[%mul3A_8, %dma_start3A_9] : memref<4096x128xf32, #tpu.memory_space<hbm>> -> memref<128x128xf32, #tpu.memory_space<hbm>>
      %dma_start3A_11 = arith.constant 0 : i32
      %dma_start3A_12 = tpu.memref_slice %arg4[%mul3A_8, %dma_start3A_11] : memref<4096x128xf32, #tpu.memory_space<hbm>> -> memref<128x128xf32, #tpu.memory_space<hbm>>
      tpu.enqueue_dma source(%arg6 : memref<128x128xf32, #tpu.memory_space<vmem>>) target(%dma_start3A_12 : memref<128x128xf32, #tpu.memory_space<hbm>>) target_semaphore(%run_scoped3A : memref<!tpu.dma_semaphore, #tpu.memory_space<semaphore_mem>>)
      %dma_wait3A_13 = arith.constant 0 : i32
      %dma_wait3A_14 = tpu.memref_slice %arg4[%mul3A_8, %dma_wait3A_13] : memref<4096x128xf32, #tpu.memory_space<hbm>> -> memref<128x128xf32, #tpu.memory_space<hbm>>
      %dma_wait3A_15 = arith.constant 0 : i32
      %dma_wait3A_16 = tpu.memref_slice %arg4[%mul3A_8, %dma_wait3A_15] : memref<4096x128xf32, #tpu.memory_space<hbm>> -> memref<128x128xf32, #tpu.memory_space<hbm>>
      tpu.wait_dma2 semaphore(%run_scoped3A : memref<!tpu.dma_semaphore, #tpu.memory_space<semaphore_mem>>) src(%arg6 : memref<128x128xf32, #tpu.memory_space<vmem>>) dst(%dma_wait3A_16 : memref<128x128xf32, #tpu.memory_space<hbm>>)
      tpu.yield
    }) : () -> ()
    return
  }
}

module attributes {stable_mosaic.version = 14 : i64} {
  func.func @_relayout_body(%arg0: i32, %arg1: memref<64x2048xf32, #tpu.memory_space<vmem>>, %arg2: memref<64x2048xf32, #tpu.memory_space<vmem>>, %arg3: memref<2048x128xf32, #tpu.memory_space<vmem>>) attributes {dimension_semantics = [#tpu.dimension_semantics<arbitrary>], iteration_bounds = array<i64: 245>, scalar_prefetch = 0 : i64, scratch_operands = 0 : i64, tpu.core_type = #tpu.core_type<tc>, window_params = [{transform_indices = @transform_0, window_bounds = array<i64: 64, 2048>}, {transform_indices = @transform_1, window_bounds = array<i64: 64, 2048>}, {transform_indices = @transform_2, window_bounds = array<i64: 2048, 128>}]} {
    %get3A = arith.constant 0 : index
    %get3A_0 = arith.constant 0 : index
    %get3A_1 = vector.load %arg1[%get3A, %get3A_0] : memref<64x2048xf32, #tpu.memory_space<vmem>>, vector<64x2048xf32>
    %transpose3A = tpu.transpose %get3A_1, [1, 0] : vector<64x2048xf32> -> vector<2048x64xf32>
    %get3A_2 = arith.constant 0 : index
    %get3A_3 = arith.constant 0 : index
    %get3A_4 = vector.load %arg2[%get3A_2, %get3A_3] : memref<64x2048xf32, #tpu.memory_space<vmem>>, vector<64x2048xf32>
    %transpose3A_5 = tpu.transpose %get3A_4, [1, 0] : vector<64x2048xf32> -> vector<2048x64xf32>
    %concatenate3A = tpu.concatenate %transpose3A, %transpose3A_5 in 1 : vector<2048x64xf32>, vector<2048x64xf32> -> vector<2048x128xf32>
    %swap3A = arith.constant 0 : index
    %swap3A_6 = arith.constant 0 : index
    %swap3A_7 = vector.load %arg3[%swap3A, %swap3A_6] : memref<2048x128xf32, #tpu.memory_space<vmem>>, vector<2048x128xf32>
    tpu.vector_store %arg3[%swap3A, %swap3A_6], %concatenate3A {strides = array<i32>} : memref<2048x128xf32, #tpu.memory_space<vmem>>, vector<2048x128xf32>,
    return
  }
  func.func @transform_0(%arg0: i32) -> (i32, i32) {
    %c0_i32 = arith.constant 0 : i32
    %c0_i32_0 = arith.constant 0 : i32
    return %c0_i32, %arg0 : i32, i32
  }
  func.func @transform_1(%arg0: i32) -> (i32, i32) {
    %add3A = arith.constant 245 : i32
    %add3A_0 = arith.addi %arg0, %add3A : i32
    %min3A = arith.constant 488 : i32
    %min3A_1 = arith.minsi %add3A_0, %min3A : i32
    %c0_i32 = arith.constant 0 : i32
    %c0_i32_2 = arith.constant 0 : i32
    return %c0_i32, %min3A_1 : i32, i32
  }
  func.func @transform_2(%arg0: i32) -> (i32, i32) {
    %c0_i32 = arith.constant 0 : i32
    %c0_i32_0 = arith.constant 0 : i32
    return %arg0, %c0_i32 : i32, i32
  }
}

module attributes {stable_mosaic.version = 14 : i64} {
  func.func @_sel_body(%arg0: i32, %arg1: memref<2048x128xf32, #tpu.memory_space<vmem>>, %arg2: memref<2048x1xf32, #tpu.memory_space<vmem>>, %arg3: memref<2048x64xf32, #tpu.memory_space<vmem>>) attributes {dimension_semantics = [#tpu.dimension_semantics<arbitrary>], iteration_bounds = array<i64: 12>, scalar_prefetch = 0 : i64, scratch_operands = 0 : i64, tpu.core_type = #tpu.core_type<tc>, window_params = [{transform_indices = @transform_0, window_bounds = array<i64: 2048, 128>}, {transform_indices = @transform_1, window_bounds = array<i64: 2048, 1>}, {transform_indices = @transform_2, window_bounds = array<i64: 2048, 64>}]} {
    %get3A = arith.constant 0 : index
    %get3A_0 = arith.constant 0 : index
    %get3A_1 = vector.load %arg1[%get3A, %get3A_0] : memref<2048x128xf32, #tpu.memory_space<vmem>>, vector<2048x128xf32>
    %get3A_2 = arith.constant 0 : index
    %get3A_3 = arith.constant 0 : index
    %get3A_4 = vector.load %arg2[%get3A_2, %get3A_3] : memref<2048x1xf32, #tpu.memory_space<vmem>>, vector<2048x1xf32>
    %gt3A = arith.constant 5.000000e-01 : f32
    %gt3A_5 = vector.broadcast %gt3A : f32 to vector<2048x1xf32>
    %gt3A_6 = arith.cmpf ogt, %get3A_4, %gt3A_5 : vector<2048x1xf32>
    %slice3A = vector.extract_strided_slice %get3A_1 {offsets = [0, 64], sizes = [2048, 64], strides = [1, 1]} : vector<2048x128xf32> to vector<2048x64xf32>
    %slice3A_7 = vector.extract_strided_slice %get3A_1 {offsets = [0, 0], sizes = [2048, 64], strides = [1, 1]} : vector<2048x128xf32> to vector<2048x64xf32>
    %broadcast_in_dim3A = vector.shape_cast %gt3A_6 : vector<2048x1xi1> to vector<2048x1xi1>
    %broadcast_in_dim3A_8 = vector.broadcast %broadcast_in_dim3A : vector<2048x1xi1> to vector<2048x64xi1>
    %select_n3A = arith.select %broadcast_in_dim3A_8, %slice3A, %slice3A_7 : vector<2048x64xi1>, vector<2048x64xf32>
    %swap3A = arith.constant 0 : index
    %swap3A_9 = arith.constant 0 : index
    %swap3A_10 = vector.load %arg3[%swap3A, %swap3A_9] : memref<2048x64xf32, #tpu.memory_space<vmem>>, vector<2048x64xf32>
    tpu.vector_store %arg3[%swap3A, %swap3A_9], %select_n3A {strides = array<i32>} : memref<2048x64xf32, #tpu.memory_space<vmem>>, vector<2048x64xf32>,
    return
  }
  func.func @transform_0(%arg0: i32) -> (i32, i32) {
    %c0_i32 = arith.constant 0 : i32
    %c0_i32_0 = arith.constant 0 : i32
    return %arg0, %c0_i32 : i32, i32
  }
  func.func @transform_1(%arg0: i32) -> (i32, i32) {
    %c0_i32 = arith.constant 0 : i32
    %c0_i32_0 = arith.constant 0 : i32
    return %arg0, %c0_i32 : i32, i32
  }
  func.func @transform_2(%arg0: i32) -> (i32, i32) {
    %c0_i32 = arith.constant 0 : i32
    %c0_i32_0 = arith.constant 0 : i32
    return %arg0, %c0_i32 : i32, i32
  }
}

module attributes {stable_mosaic.version = 14 : i64} {
  func.func @_loss_body(%arg0: i32, %arg1: memref<256x64xf32, #tpu.memory_space<vmem>>, %arg2: memref<4096x64xf32, #tpu.memory_space<vmem>>, %arg3: memref<1x1xf32, #tpu.memory_space<smem>>) attributes {dimension_semantics = [#tpu.dimension_semantics<arbitrary>], iteration_bounds = array<i64: 96>, scalar_prefetch = 0 : i64, scratch_operands = 0 : i64, tpu.core_type = #tpu.core_type<tc>, window_params = [{transform_indices = @transform_0, window_bounds = array<i64: 256, 64>}, {pipeline_mode = #tpu.pipeline_mode<synchronous>, transform_indices = @transform_1, window_bounds = array<i64: 4096, 64>}, {transform_indices = @transform_2, window_bounds = array<i64: 1, 1>}]} {
    %lt3A = arith.constant 16 : i32
    %lt3A_0 = arith.cmpi slt, %arg0, %lt3A : i32
    %jit3A = arith.constant -1.44269502 : f32
    %jit3A_1 = arith.constant 1.44269502 : f32
    %select_n3A = arith.select %lt3A_0, %jit3A, %jit3A_1 : f32
    %jit3A_2 = arith.constant 4.13147916E-8 : f32
    %jit3A_3 = arith.constant 8.26295832E-9 : f32
    %select_n3A_4 = arith.select %lt3A_0, %jit3A_2, %jit3A_3 : f32
    %get3A = arith.constant 0 : index
    %get3A_5 = arith.constant 0 : index
    %get3A_6 = vector.load %arg1[%get3A, %get3A_5] : memref<256x64xf32, #tpu.memory_space<vmem>>, vector<256x64xf32>
    %mul3A = vector.broadcast %select_n3A : f32 to vector<256x64xf32>
    %mul3A_7 = arith.mulf %get3A_6, %mul3A : vector<256x64xf32>
    %get3A_8 = arith.constant 0 : index
    %get3A_9 = arith.constant 0 : index
    %get3A_10 = vector.load %arg2[%get3A_8, %get3A_9] : memref<4096x64xf32, #tpu.memory_space<vmem>>, vector<4096x64xf32>
    %dot_general3A = arith.constant dense<0.000000e+00> : vector<256x4096xf32>
    %dot_general3A_11 = tpu.matmul %mul3A_7, %get3A_10, %dot_general3A {dimension_numbers = #tpu.dot_dimension_numbers<[1], [1], [0], [0], [0, 0, 1, 0], [], []>, transpose_lhs_hint = false} : vector<256x64xf32>, vector<4096x64xf32>, vector<256x4096xf32> -> vector<256x4096xf32>
    %eq3A = arith.constant 0 : i32
    %eq3A_12 = arith.cmpi eq, %arg0, %eq3A : i32
    %convert_element_type3A = arith.extui %eq3A_12 : i1 to i32
    %cond3A = arith.constant 0 : i32
    %cond3A_13 = arith.cmpi ne, %convert_element_type3A, %cond3A : i32
    scf.if %cond3A_13 {
      %swap3A_102 = arith.constant 0.000000e+00 : f32
      %swap3A_103 = arith.constant 0 : index
      %swap3A_104 = arith.constant 0 : index
      %swap3A_105 = memref.load %arg3[%swap3A_103, %swap3A_104] : memref<1x1xf32, #tpu.memory_space<smem>>
      memref.store %swap3A_102, %arg3[%swap3A_103, %swap3A_104] : memref<1x1xf32, #tpu.memory_space<smem>>
    } else {
    }
    %slice3A = vector.extract_strided_slice %dot_general3A_11 {offsets = [0, 0], sizes = [64, 4096], strides = [1, 1]} : vector<256x4096xf32> to vector<64x4096xf32>
    %min3A = arith.constant 23.2534962 : f32
    %min3A_14 = vector.broadcast %min3A : f32 to vector<64x4096xf32>
    %min3A_15 = arith.minimumf %slice3A, %min3A_14 : vector<64x4096xf32>
    %exp23A = math.exp2 %min3A_15 : vector<64x4096xf32>
    %add3A = arith.constant 1.000000e+00 : f32
    %add3A_16 = vector.broadcast %add3A : f32 to vector<64x4096xf32>
    %add3A_17 = arith.addf %add3A_16, %exp23A : vector<64x4096xf32>
    %log3A = math.log %add3A_17 : vector<64x4096xf32>
    %log3A_18 = arith.constant 2.000000e+00 : f32
    %log3A_19 = math.log %log3A_18 : f32
    %div3A = vector.broadcast %log3A_19 : f32 to vector<64x4096xf32>
    %div3A_20 = arith.divf %log3A, %div3A : vector<64x4096xf32>
    %max3A = arith.constant 1.44269507E-7 : f32
    %max3A_21 = vector.broadcast %max3A : f32 to vector<64x4096xf32>
    %max3A_22 = arith.maximumf %div3A_20, %max3A_21 : vector<64x4096xf32>
    %reduce_sum3A = vector.shape_cast %max3A_22 : vector<64x4096xf32> to vector<1x64x4096xf32>
    %reduce_sum3A_23 = arith.constant dense<0.000000e+00> : vector<1xf32>
    %reduce_sum3A_24 = vector.multi_reduction <add>, %reduce_sum3A, %reduce_sum3A_23 [1, 2] : vector<1x64x4096xf32> to vector<1xf32>
    %reduce_sum3A_25 = vector.shape_cast %reduce_sum3A_24 : vector<1xf32> to vector<1x1x1xf32>
    %reduce_sum3A_26 = vector.extract %reduce_sum3A_25[0, 0, 0] : f32 from vector<1x1x1xf32>
    %add3A_27 = arith.constant 0.000000e+00 : f32
    %add3A_28 = arith.addf %add3A_27, %reduce_sum3A_26 : f32
    %slice3A_29 = vector.extract_strided_slice %dot_general3A_11 {offsets = [64, 0], sizes = [64, 4096], strides = [1, 1]} : vector<256x4096xf32> to vector<64x4096xf32>
    %min3A_30 = arith.constant 23.2534962 : f32
    %min3A_31 = vector.broadcast %min3A_30 : f32 to vector<64x4096xf32>
    %min3A_32 = arith.minimumf %slice3A_29, %min3A_31 : vector<64x4096xf32>
    %exp23A_33 = math.exp2 %min3A_32 : vector<64x4096xf32>
    %add3A_34 = arith.constant 1.000000e+00 : f32
    %add3A_35 = vector.broadcast %add3A_34 : f32 to vector<64x4096xf32>
    %add3A_36 = arith.addf %add3A_35, %exp23A_33 : vector<64x4096xf32>
    %log3A_37 = math.log %add3A_36 : vector<64x4096xf32>
    %log3A_38 = arith.constant 2.000000e+00 : f32
    %log3A_39 = math.log %log3A_38 : f32
    %div3A_40 = vector.broadcast %log3A_39 : f32 to vector<64x4096xf32>
    %div3A_41 = arith.divf %log3A_37, %div3A_40 : vector<64x4096xf32>
    %max3A_42 = arith.constant 1.44269507E-7 : f32
    %max3A_43 = vector.broadcast %max3A_42 : f32 to vector<64x4096xf32>
    %max3A_44 = arith.maximumf %div3A_41, %max3A_43 : vector<64x4096xf32>
    %reduce_sum3A_45 = vector.shape_cast %max3A_44 : vector<64x4096xf32> to vector<1x64x4096xf32>
    %reduce_sum3A_46 = arith.constant dense<0.000000e+00> : vector<1xf32>
    %reduce_sum3A_47 = vector.multi_reduction <add>, %reduce_sum3A_45, %reduce_sum3A_46 [1, 2] : vector<1x64x4096xf32> to vector<1xf32>
    %reduce_sum3A_48 = vector.shape_cast %reduce_sum3A_47 : vector<1xf32> to vector<1x1x1xf32>
    %reduce_sum3A_49 = vector.extract %reduce_sum3A_48[0, 0, 0] : f32 from vector<1x1x1xf32>
    %add3A_50 = arith.addf %add3A_28, %reduce_sum3A_49 : f32
    %slice3A_51 = vector.extract_strided_slice %dot_general3A_11 {offsets = [128, 0], sizes = [64, 4096], strides = [1, 1]} : vector<256x4096xf32> to vector<64x4096xf32>
    %min3A_52 = arith.constant 23.2534962 : f32
    %min3A_53 = vector.broadcast %min3A_52 : f32 to vector<64x4096xf32>
    %min3A_54 = arith.minimumf %slice3A_51, %min3A_53 : vector<64x4096xf32>
    %exp23A_55 = math.exp2 %min3A_54 : vector<64x4096xf32>
    %add3A_56 = arith.constant 1.000000e+00 : f32
    %add3A_57 = vector.broadcast %add3A_56 : f32 to vector<64x4096xf32>
    %add3A_58 = arith.addf %add3A_57, %exp23A_55 : vector<64x4096xf32>
    %log3A_59 = math.log %add3A_58 : vector<64x4096xf32>
    %log3A_60 = arith.constant 2.000000e+00 : f32
    %log3A_61 = math.log %log3A_60 : f32
    %div3A_62 = vector.broadcast %log3A_61 : f32 to vector<64x4096xf32>
    %div3A_63 = arith.divf %log3A_59, %div3A_62 : vector<64x4096xf32>
    %max3A_64 = arith.constant 1.44269507E-7 : f32
    %max3A_65 = vector.broadcast %max3A_64 : f32 to vector<64x4096xf32>
    %max3A_66 = arith.maximumf %div3A_63, %max3A_65 : vector<64x4096xf32>
    %reduce_sum3A_67 = vector.shape_cast %max3A_66 : vector<64x4096xf32> to vector<1x64x4096xf32>
    %reduce_sum3A_68 = arith.constant dense<0.000000e+00> : vector<1xf32>
    %reduce_sum3A_69 = vector.multi_reduction <add>, %reduce_sum3A_67, %reduce_sum3A_68 [1, 2] : vector<1x64x4096xf32> to vector<1xf32>
    %reduce_sum3A_70 = vector.shape_cast %reduce_sum3A_69 : vector<1xf32> to vector<1x1x1xf32>
    %reduce_sum3A_71 = vector.extract %reduce_sum3A_70[0, 0, 0] : f32 from vector<1x1x1xf32>
    %add3A_72 = arith.addf %add3A_50, %reduce_sum3A_71 : f32
    %slice3A_73 = vector.extract_strided_slice %dot_general3A_11 {offsets = [192, 0], sizes = [64, 4096], strides = [1, 1]} : vector<256x4096xf32> to vector<64x4096xf32>
    %min3A_74 = arith.constant 23.2534962 : f32
    %min3A_75 = vector.broadcast %min3A_74 : f32 to vector<64x4096xf32>
    %min3A_76 = arith.minimumf %slice3A_73, %min3A_75 : vector<64x4096xf32>
    %exp23A_77 = math.exp2 %min3A_76 : vector<64x4096xf32>
    %add3A_78 = arith.constant 1.000000e+00 : f32
    %add3A_79 = vector.broadcast %add3A_78 : f32 to vector<64x4096xf32>
    %add3A_80 = arith.addf %add3A_79, %exp23A_77 : vector<64x4096xf32>
    %log3A_81 = math.log %add3A_80 : vector<64x4096xf32>
    %log3A_82 = arith.constant 2.000000e+00 : f32
    %log3A_83 = math.log %log3A_82 : f32
    %div3A_84 = vector.broadcast %log3A_83 : f32 to vector<64x4096xf32>
    %div3A_85 = arith.divf %log3A_81, %div3A_84 : vector<64x4096xf32>
    %max3A_86 = arith.constant 1.44269507E-7 : f32
    %max3A_87 = vector.broadcast %max3A_86 : f32 to vector<64x4096xf32>
    %max3A_88 = arith.maximumf %div3A_85, %max3A_87 : vector<64x4096xf32>
    %reduce_sum3A_89 = vector.shape_cast %max3A_88 : vector<64x4096xf32> to vector<1x64x4096xf32>
    %reduce_sum3A_90 = arith.constant dense<0.000000e+00> : vector<1xf32>
    %reduce_sum3A_91 = vector.multi_reduction <add>, %reduce_sum3A_89, %reduce_sum3A_90 [1, 2] : vector<1x64x4096xf32> to vector<1xf32>
    %reduce_sum3A_92 = vector.shape_cast %reduce_sum3A_91 : vector<1xf32> to vector<1x1x1xf32>
    %reduce_sum3A_93 = vector.extract %reduce_sum3A_92[0, 0, 0] : f32 from vector<1x1x1xf32>
    %add3A_94 = arith.addf %add3A_72, %reduce_sum3A_93 : f32
    %get3A_95 = arith.constant 0 : index
    %get3A_96 = arith.constant 0 : index
    %get3A_97 = memref.load %arg3[%get3A_95, %get3A_96] : memref<1x1xf32, #tpu.memory_space<smem>>
    %mul3A_98 = arith.mulf %add3A_94, %select_n3A_4 : f32
    %add3A_99 = arith.addf %get3A_97, %mul3A_98 : f32
    %swap3A = arith.constant 0 : index
    %swap3A_100 = arith.constant 0 : index
    %swap3A_101 = memref.load %arg3[%swap3A, %swap3A_100] : memref<1x1xf32, #tpu.memory_space<smem>>
    memref.store %add3A_99, %arg3[%swap3A, %swap3A_100] : memref<1x1xf32, #tpu.memory_space<smem>>
    return
  }
  func.func @transform_0(%arg0: i32) -> (i32, i32) {
    %c0_i32 = arith.constant 0 : i32
    %c0_i32_0 = arith.constant 0 : i32
    return %arg0, %c0_i32 : i32, i32
  }
  func.func @transform_1(%arg0: i32) -> (i32, i32) {
    %c0_i32 = arith.constant 0 : i32
    %c0_i32_0 = arith.constant 0 : i32
    %c0_i32_1 = arith.constant 0 : i32
    return %c0_i32, %c0_i32_0 : i32, i32
  }
  func.func @transform_2(%arg0: i32) -> (i32, i32) {
    %c0_i32 = arith.constant 0 : i32
    %c0_i32_0 = arith.constant 0 : i32
    %c0_i32_1 = arith.constant 0 : i32
    return %c0_i32, %c0_i32_0 : i32, i32
  }
}

module attributes {stable_mosaic.version = 14 : i64} {
  func.func @_sel_body(%arg0: i32, %arg1: memref<2048x128xf32, #tpu.memory_space<vmem>>, %arg2: memref<2048x1xf32, #tpu.memory_space<vmem>>, %arg3: memref<2048x64xf32, #tpu.memory_space<vmem>>) attributes {dimension_semantics = [#tpu.dimension_semantics<arbitrary>], iteration_bounds = array<i64: 2>, scalar_prefetch = 0 : i64, scratch_operands = 0 : i64, tpu.core_type = #tpu.core_type<tc>, window_params = [{transform_indices = @transform_0, window_bounds = array<i64: 2048, 128>}, {transform_indices = @transform_1, window_bounds = array<i64: 2048, 1>}, {transform_indices = @transform_2, window_bounds = array<i64: 2048, 64>}]} {
    %get3A = arith.constant 0 : index
    %get3A_0 = arith.constant 0 : index
    %get3A_1 = vector.load %arg1[%get3A, %get3A_0] : memref<2048x128xf32, #tpu.memory_space<vmem>>, vector<2048x128xf32>
    %get3A_2 = arith.constant 0 : index
    %get3A_3 = arith.constant 0 : index
    %get3A_4 = vector.load %arg2[%get3A_2, %get3A_3] : memref<2048x1xf32, #tpu.memory_space<vmem>>, vector<2048x1xf32>
    %gt3A = arith.constant 5.000000e-01 : f32
    %gt3A_5 = vector.broadcast %gt3A : f32 to vector<2048x1xf32>
    %gt3A_6 = arith.cmpf ogt, %get3A_4, %gt3A_5 : vector<2048x1xf32>
    %slice3A = vector.extract_strided_slice %get3A_1 {offsets = [0, 64], sizes = [2048, 64], strides = [1, 1]} : vector<2048x128xf32> to vector<2048x64xf32>
    %slice3A_7 = vector.extract_strided_slice %get3A_1 {offsets = [0, 0], sizes = [2048, 64], strides = [1, 1]} : vector<2048x128xf32> to vector<2048x64xf32>
    %broadcast_in_dim3A = vector.shape_cast %gt3A_6 : vector<2048x1xi1> to vector<2048x1xi1>
    %broadcast_in_dim3A_8 = vector.broadcast %broadcast_in_dim3A : vector<2048x1xi1> to vector<2048x64xi1>
    %select_n3A = arith.select %broadcast_in_dim3A_8, %slice3A, %slice3A_7 : vector<2048x64xi1>, vector<2048x64xf32>
    %swap3A = arith.constant 0 : index
    %swap3A_9 = arith.constant 0 : index
    %swap3A_10 = vector.load %arg3[%swap3A, %swap3A_9] : memref<2048x64xf32, #tpu.memory_space<vmem>>, vector<2048x64xf32>
    tpu.vector_store %arg3[%swap3A, %swap3A_9], %select_n3A {strides = array<i32>} : memref<2048x64xf32, #tpu.memory_space<vmem>>, vector<2048x64xf32>,
    return
  }
  func.func @transform_0(%arg0: i32) -> (i32, i32) {
    %c0_i32 = arith.constant 0 : i32
    %c0_i32_0 = arith.constant 0 : i32
    return %arg0, %c0_i32 : i32, i32
  }
  func.func @transform_1(%arg0: i32) -> (i32, i32) {
    %c0_i32 = arith.constant 0 : i32
    %c0_i32_0 = arith.constant 0 : i32
    return %arg0, %c0_i32 : i32, i32
  }
  func.func @transform_2(%arg0: i32) -> (i32, i32) {
    %c0_i32 = arith.constant 0 : i32
    %c0_i32_0 = arith.constant 0 : i32
    return %arg0, %c0_i32 : i32, i32
  }
}

</mosaic_0001>

<sc_bundles>
// kernel: kernel.12.cloned.1.call-start
scs
__scs_entry_jumppad:
0x0: {  	(pc) =	sbr.rel $0x88, $3  }
0x1: {  	(tag) =	ssettag $0x0;
	lr =	simm.s32 $0x1  }
0x2: {  	[smem:$0x3F9C] =	sst lr;
	_ =	strace $0xD0000000  }
0x3: {  	_ = 	snop  }
0x4: {  	_ = 	snop  }
0x5: {  	_ = 	snop  }
0x6: {  	_ = 	snop  }
0x7: {  	_ = 	snop  }
__scs_overlays_trampoline_lowered:
0x8: {  	[smem:$0x3FAB] =	sst s0  }
0x9: {  	[smem:$0x3FAC] =	sst s1  }
0xa: {  	[smem:$0x3FAD] =	sst s2  }
0xb: {  	[smem:$0x3FAE] =	sst s3  }
0xc: {  	[smem:$0x3FAF] =	sst s4  }
0xd: {  	[smem:$0x3FB0] =	sst s5  }
0xe: {  	[smem:$0x3FB1] =	sst s6  }
0xf: {  	[smem:$0x3FB2] =	sst s7  }
0x10: {  	[smem:$0x3FB3] =	sst s8  }
0x11: {  	[smem:$0x3FB4] =	sst s9;
	s0 =	simm.s32 @!p0 $0x0  }
0x12: {  	s1 =	sld [smem:$0x3F9A];
	s0 =	simm.s32 @p0 $0x1  }
0x13: {  	[smem:$0x3FB5] =	sst s0;
	s0 =	simm.s32 @!p1 $0x0  }
0x14: {  	s2 =	sld [smem:$0x3F99];
	s0 =	simm.s32 @p1 $0x1  }
0x15: {  	[smem:$0x3FB6] =	sst s0;
	s0 =	simm.s32 @!p2 $0x0  }
0x16: {  	s3 =	sld [smem:$0x3FDB];
	s0 =	simm.s32 @p2 $0x1  }
0x17: {  	s4 =	simm.s32 $0x1BF5;
	[smem:$0x3FB8] =	sst s0  }
0x18: {  	s0 =	sld [smem:$0x3F9B];
	_ =	swait.ge [sflag:s4], $0x0  }
0x19: {  	s7 =	sld [smem:$0x3F9C]  }
0x1a: {  	s8 =	sadd.s32 $0xFFFFE003, lr  }
0x1b: {  	s9 =	sadd.s32 $0xFFFFFEF7, lr;
	s5 =	simm.s32 $0xFFFFFFFF;
	p2 =	slt.u32 s8, $0xFFFFF086  }
0x1c: {  	p1 =	slt.u32 s9, $0xF7A;
	s5 =	simm.s32 @!p2 $0x0  }
0x1d: {  	s5 =	simm.s32 @p1 $0x1;
	p0 =	seq.s32 s7, s2  }
0x1e: {  	s7 =	smul.u32 @!p0 $0xF7A, s2;
	p2 =	seq.s32 @!p0 s5, $0x0  }
0x1f: {  	s9 =	smul.u32 $0xF7A, s1;
	s8 =	simm.s32 @!p0 $0x1BF5;
	p2 =	por !p2, p0  }
0x20: {  	[sflag:s8] =	ssyncset.s32 @!p0 $0xFFFFF086;
	s6 =	sadd.s32 @!p0 s3, s7;
	s7 =	simm.s32 @!p0 $0x108  }
0x21: {  	s3 =	sadd.s32 s3, s9;
	s6 =	sadd.s32 @!p0 $0x88, s6;
	s7 =	simm.s32 @p2 $0x1082  }
0x22: {  	[simem:s7], [sflag:s8] =	dma.local @!p0 [hbm:s6], $0xF7A  }
0x23: {  	s9 =	sor.u32 $0xD0000000, s2;
	s6 =	simm.s32 $0x108;
	_ =	swait.ge @!p0 [sflag:s8], $0x0  }
0x24: {  	s3 =	sadd.s32 $0x88, s3;
	s6 =	simm.s32 @!p1 $0x1082;
	[sflag:s4] =	ssyncset.s32 $0xFFFFF086  }
0x25: {  	[simem:s6], [sflag:s4] =	dma.local [hbm:s3], $0xF7A  }
0x26: {  	[smem:$0x3F9C] =	sst s1;
	(tag) =	ssettag s2;
	_ =	strace s9  }
0x27: {  	s1 =	sld [smem:$0x3FAC]  }
0x28: {  	s2 =	sld [smem:$0x3FAD]  }
0x29: {  	s4 =	sld [smem:$0x3FAF]  }
0x2a: {  	p0 =	seq.s32 s5, $0x0;
	s5 =	sld [smem:$0x3FB0]  }
0x2b: {  	s6 =	sld [smem:$0x3FB1]  }
0x2c: {  	s7 =	sld [smem:$0x3FB2]  }
0x2d: {  	s3 =	simm.s32 $0x108;
	s8 =	sld [smem:$0x3FB3]  }
0x2e: {  	s3 =	simm.s32 @!p0 $0x1082;
	s9 =	sld [smem:$0x3FB4]  }
0x2f: {  	lr =	sadd.s32 s0, s3;
	s0 =	sld [smem:$0x3FAB]  }
0x30: {  	s3 =	sld [smem:$0x3FAE]  }
0x31: {  	[smem:$0x3FB7] =	sst s10  }
0x32: {  	s10 =	sld [smem:$0x3FB5];
	_ =	sdelay $0x3  }
0x33: {  	p0 =	seq.s32 s10, $0x1;
	s10 =	sld [smem:$0x3FB7];
	_ =	sdelay $0x3  }
0x34: {  	[smem:$0x3FB7] =	sst s10  }
0x35: {  	s10 =	sld [smem:$0x3FB6];
	_ =	sdelay $0x3  }
0x36: {  	p1 =	seq.s32 s10, $0x1;
	s10 =	sld [smem:$0x3FB7];
	_ =	sdelay $0x3  }
0x37: {  	[smem:$0x3FB7] =	sst s10  }
0x38: {  	s10 =	sld [smem:$0x3FB8]  }
0x39: {  	_ = 	snop;
	(pc) =	sbr.ind lr, $3  }
0x3a: {  	_ = 	snop  }
0x3b: {  	_ = 	snop  }
0x3c: {  	p2 =	seq.s32 s10, $0x1;
	s10 =	sld [smem:$0x3FB7]  }
0x3d: {  	_ =	shalt  }
0x3e: {  	_ =	shalt  }
0x3f: {  	_ =	shalt  }
0x40: {  	_ =	shalt  }
0x41: {  	_ =	shalt  }
0x42: {  	_ =	shalt  }
0x43: {  	_ =	shalt  }
0x44: {  	_ =	shalt  }
0x45: {  	_ =	shalt  }
0x46: {  	_ =	shalt  }
0x47: {  	_ =	shalt  }
0x48: {  	_ =	shalt  }
0x49: {  	_ =	shalt  }
0x4a: {  	_ =	shalt  }
0x4b: {  	_ =	shalt  }
0x4c: {  	_ =	shalt  }
0x4d: {  	_ =	shalt  }
0x4e: {  	_ =	shalt  }
0x4f: {  	_ =	shalt  }
0x50: {  	_ =	shalt  }
0x51: {  	_ =	shalt  }
0x52: {  	_ =	shalt  }
0x53: {  	_ =	shalt  }
0x54: {  	_ =	shalt  }
0x55: {  	_ =	shalt  }
0x56: {  	_ =	shalt  }
0x57: {  	_ =	shalt  }
0x58: {  	_ =	shalt  }
0x59: {  	_ =	shalt  }
0x5a: {  	_ =	shalt  }
0x5b: {  	_ =	shalt  }
0x5c: {  	_ =	shalt  }
0x5d: {  	_ =	shalt  }
0x5e: {  	_ =	shalt  }
0x5f: {  	_ =	shalt  }
0x60: {  	_ =	shalt  }
0x61: {  	_ =	shalt  }
0x62: {  	_ =	shalt  }
0x63: {  	_ =	shalt  }
0x64: {  	_ =	shalt  }
0x65: {  	_ =	shalt  }
0x66: {  	_ =	shalt  }
0x67: {  	_ =	shalt  }
0x68: {  	_ =	shalt  }
0x69: {  	_ =	shalt  }
0x6a: {  	_ =	shalt  }
0x6b: {  	_ =	shalt  }
0x6c: {  	_ =	shalt  }
0x6d: {  	_ =	shalt  }
0x6e: {  	_ =	shalt  }
0x6f: {  	_ =	shalt  }
0x70: {  	_ =	shalt  }
0x71: {  	_ =	shalt  }
0x72: {  	_ =	shalt  }
0x73: {  	_ =	shalt  }
0x74: {  	_ =	shalt  }
0x75: {  	_ =	shalt  }
0x76: {  	_ =	shalt  }
0x77: {  	_ =	shalt  }
0x78: {  	_ =	shalt  }
0x79: {  	_ =	shalt  }
0x7a: {  	_ =	shalt  }
0x7b: {  	_ =	shalt  }
0x7c: {  	_ =	shalt  }
0x7d: {  	_ =	shalt  }
0x7e: {  	_ =	shalt  }
0x7f: {  	_ =	shalt  }
0x80: {  	_ =	shalt  }
0x81: {  	_ =	shalt  }
0x82: {  	_ =	shalt  }
0x83: {  	_ =	shalt  }
0x84: {  	_ =	shalt  }
0x85: {  	_ =	shalt  }
0x86: {  	_ =	shalt  }
0x87: {  	_ =	shalt  }
.Lfunc_end0:
.L_simem_size_0:
called_computation.1_lowered:
.L_overlay_start_0:
0x88: {  	s2 =	sld [smem:$0x3FD9]  }
0x89: {  	s3 =	sld [smem:$0x3FFE];
	_ =	sdelay $0x1  }
0x8a: {  	s1 =	srdreg.scid  }
0x8b: {  	s0 =	sand.u32 $0x1, s1  }
0x8c: {  	s17 =	sshll.u32 s0, $0xA;
	s2 =	sadd.s32 s3, s2  }
0x8d: {  	s2 =	sadd.s32 s2, s17  }
0x8e: {  	[smem:$0x3FC3] =	sst s2  }
0x8f: {  	_ = 	snop  }
0x90: {  	(tm) =	ssettm $0x1  }
0x91: {  	s18 =	sld [smem:$0x3FFB];
	_ =	sdelay $0x3  }
0x92: {  	_ =	strace s18  }
0x93: {  	s2 =	sld [smem:$0x3FFC];
	_ =	sdelay $0x3  }
0x94: {  	_ =	strace s2  }
0x95: {  	s2 =	sld [smem:$0x3FFD];
	_ =	sdelay $0x3  }
0x96: {  	_ =	strace s2  }
0x97: {  	_ =	strace $0x8FFFFFFF  }
0x98: {  	s19 =	sld [smem:$0x3FDB];
	_ =	sdelay $0x1  }
0x99: {  	s20 =	simm.s32 $_scs_section_size  }
0x9a: {  	s4 =	simm.s32 $_size__tile_overlayer_lowered;
	s5 =	simm.s32 $_tile_overlayer_lowered  }
0x9b: {  	s6 =	simm.s32 $0x1BFF;
	s21 =	sshll.u32 s5, $0x1;
	s3 =	sadd.s32 s20, s19  }
0x9c: {  	s22 =	simm.s32 $0x0;
	s4 =	sshll.u32 s4, $0x1;
	s5 =	sadd.s32 s21, s3  }
0x9d: {  	[timem:s22], [sflag:s6] =	dma.local [hbm:s5], s4  }
0x9e: {  	_ =	swait.ge [sflag:s6], s4  }
0x9f: {  	s4 =	ssub.s32 $0x0, s4;
	[sflag:s6] =	ssyncset.done $0x0  }
0xa0: {  	[sflag:s6] =	ssyncadd.s32 s4;
	_ =	sdelay $0x1  }
0xa1: {  	s23 =	simm.s32 $0x1B8B  }
0xa2: {  	_ =	swait.ge [sflag:s23], $0x1  }
0xa3: {  	[sflag:s23] =	ssyncset.done $0x0  }
0xa4: {  	[sflag:s23] =	ssyncadd.s32 $0xFFFFFFFF  }
0xa5: {  	s4 =	sld [smem:$0x0]  }
0xa6: {  	s5 =	sand.u32 $0xFFFFFFFE, s1  }
0xa7: {  	p0 =	sne.s32 s1, s5  }
0xa8: {  	s5 =	sshll.u32 @p0 s5, $0xE  }
0xa9: {  	s5 =	sadd.s32 @p0 $0x11B8D, s5;
	s6 =	sshll.u32 @p0 s4, $0x11  }
0xaa: {  	s5 =	sor.u32 @p0 s6, s5  }
0xab: {  	[sflag:s5] =	ssyncadd.remote.s32 @p0 $0x1;
	_ =	sdelay $0x1  }
0xac: {  	s5 =	simm.s32 @p0 $0x1B8D  }
0xad: {  	_ =	swait.eq @p0 [sflag:s5], $0x1  }
0xae: {  	[sflag:s5] =	ssyncadd.s32 @p0 $0xFFFFFFFF  }
0xaf: {  	s6 =	sshll.u32 @!p0 s1, $0xE  }
0xb0: {  	s6 =	sor.u32 @!p0 $0x4000, s6;
	s5 =	simm.s32 @!p0 $0x1B8D  }
0xb1: {  	s4 =	sshll.u32 @!p0 s4, $0x11;
	s6 =	sadd.s32 @!p0 $0x11B8D, s6;
	_ =	swait.eq @!p0 [sflag:s5], $0x1  }
0xb2: {  	s4 =	sor.u32 @!p0 s4, s6;
	[sflag:s5] =	ssyncadd.s32 @!p0 $0xFFFFFFFF  }
0xb3: {  	s25 =	simm.s32 $0x1B8E;
	s24 =	sld [smem:$0x3FFE];
	[sflag:s4] =	ssyncadd.remote.s32 @!p0 $0x1  }
0xb4: {  	s26 =	simm.s32 $execute0_lowered;
	[smem:$0x3FD2] =	sst s25  }
0xb5: {  	s5 =	sshll.u32 s26, $0x1;
	_ =	strace $0x80000049;
	[dreg:$0x1] =	wrdreg $0xFFFFFFFF  }
0xb6: {  	s28 =	simm.s32 $_size_execute0_lowered;
	s3 =	sadd.s32 s3, s5;
	[dreg:$0x0] =	wrdreg $0x0  }
0xb7: {  	s5 =	sshll.u32 s28, $0x1;
	[dreg:$0x2] =	wrdreg s3  }
0xb8: {  	[dreg:$0x3] =	wrdreg s5  }
0xb9: {  	[dreg:$0x4] =	wrdreg $0xC0  }
0xba: {  	_ =	task [dreg:s22], $0x5FFFF  }
0xbb: {  	[dreg:$0x1] =	wrdreg $0xFFFFFFFF  }
0xbc: {  	[dreg:$0x0] =	wrdreg $0x60  }
0xbd: {  	[dreg:$0x2] =	wrdreg s24  }
0xbe: {  	[dreg:$0x3] =	wrdreg $0xA  }
0xbf: {  	_ =	task.clear_ibuf [dreg:s22], $0x4FFFF;
	_ =	strace $0x90000049  }
0xc0: {  	s29 =	simm.s32 $0xA;
	_ =	strace $0x8000004B  }
0xc1: {  	_ =	swait.ge [sflag:s29], $0x1  }
0xc2: {  	[sflag:s29] =	ssyncadd.s32 $0xFFFFFFFF  }
0xc3: {  	_ =	strace $0x9000004B  }
0xc4: {  	_ =	sfence  }
0xc5: {  	s30 =	sld [smem:$0x0];
	_ =	sdelay $0x2  }
0xc6: {  	s31 =	sshll.u32 s1, $0xD;
	s1 =	sshrl.u32 s1, $0x2  }
0xc7: {  	s4 =	sand.u32 $0x4000, s31;
	s1 =	sadd.s32 s1, s30  }
0xc8: {  	s0 =	sor.u32 s4, s0;
	s1 =	sshll.u32 s1, $0x11  }
0xc9: {  	s0 =	sor.u32 s1, s0  }
0xca: {  	s0 =	sadd.s32 $0x8F2B, s0  }
0xcb: {  	[sflag:s0] =	ssyncadd.remote.s32 $0x1  }
0xcc: {  	_ =	sfence.sel $0xFFFF  }
0xcd: {  	[dreg:$0x0] =	wrdreg $0xFFFFFFFF;
	(pc) =	sbr.abs _section_cstart, $3  }
0xce: {  	[dreg:$0x1] =	wrdreg $0xFFFFFFFF  }
0xcf: {  	_ =	task.clear_ibuf [dreg:s22], $0x2FFFF;
	_ =	strace $0x9FFFFFFF  }
0xd0: {  	(tm) =	ssettm $0x7FFFFFFF  }
0xd1: {  	_ =	shalt  }
tec
execute0_lowered:
.L_overlay_start_1:
0x0: {  	(tag) =	ssettag $0x1  }
0x1: {  	s1 =	srdreg.scid  }
0x2: {  	s0 =	stileid.u32;
	s6 =	sand.u32 $0x1, s1  }
0x3: {  	s8 =	rddreg [dreg:$0x0];
	s30 =	sshll.u32 s0, $0x8;
	s2 =	sshll.u32 s6, $0x7  }
0x4: {  	s7 =	simm.s32 $0x1;
	s1 =	rddreg [dreg:$0x1];
	s9 =	sor.u32 s2, s30  }
0x5: {  	s5 =	sadd.s32 $0x80A200, s8;
	s2 =	simm.s32 $0x0;
	s3 =	sshrl.u32 s9, $0x3  }
0x6: {  	s10 =	ssub.s32 $0x2, s6;
	[smem:$0x7FF] =	sst s2;
	s3 =	sadd.s32 s3, s8  }
0x7: {  	_ =	strace $0x8000004A;
	s4 =	sadd.s32 $0xFB2200, s3;
	s3 =	simm.s32 $0x2  }
0x8: {  	[tilespmem:s2], [sflag:$0x2] =	stream.linear.gather [hbm4b:s4+s2], $0x80, $0x38;
	[tilespmem:$0x4080] =	vst v63  }
0x9: {  	s6 =	simm.s32 $0x80;
	s11 =	sshrl.u32 s10, $0x1;
	_ =	swait.ge [sflag:s3], $0x80  }
0xa: {  	s9 =	sshll.u32 s9, $0x4;
	s31 =	ssub.s32 s10, s11;
	[sflag:s3] =	ssyncset.done $0x0  }
0xb: {  	s8 =	sadd.s32 s9, s8;
	s9 =	smax.u32 s31, $0x1;
	[sflag:s3] =	ssyncadd.s32 $0xFFFFFF80  }
0xc: {  	[tilespmem:s6], [sflag:$0x1] =	stream.indirect.gather [hbm4b:s5+s6], $0x80, s2, s6, $0xb8;
	[tilespmem:$0x4080] =	vst v63  }
0xd: {  	p0 =	sne.s32 s9, $0x1;
	_ =	swait.ge [sflag:s7], $0x4000  }
.Ltmp0:
0xe: {  	[sflag:s7] =	ssyncset.done $0x0;
	(pc) =	sbr.rel @!p0 .LBB2_2-.Ltmp0, $4  }
0xf: {  	s8 =	sadd.s32 $0xFB2400, s8;
	[sflag:s7] =	ssyncadd.s32 $0xFFFFC000  }
0x10: {  	[hbm4b:s8+s2] =	stream.linear.scatter [tilespmem:s6], [sflag:$0x2], $0x4000, $0x38;
	[tilespmem:$0x4080] =	vst v63  }
0x11: {  	_ =	swait.ge [sflag:s3], $0x4000  }
0x12: {  	s9 =	sadd.s32 $0xFFFFFFFF, s9;
	[sflag:s3] =	ssyncset.done $0x0  }
.LBB2_1:
0x13: {  	p0 =	sne.s32 s9, $0x1;
	s9 =	sadd.s32 $0xFFFFFFFF, s9;
	[sflag:s3] =	ssyncadd.s32 $0xFFFFC000  }
0x14: {  	[tilespmem:s2], [sflag:$0x2] =	stream.linear.gather [hbm4b:s4+s2], $0x80, $0x38;
	[tilespmem:$0x4080] =	vst v63  }
0x15: {  	_ =	swait.ge [sflag:s3], $0x80  }
0x16: {  	[sflag:s3] =	ssyncset.done $0x0  }
0x17: {  	[sflag:s3] =	ssyncadd.s32 $0xFFFFFF80  }
0x18: {  	[tilespmem:s6], [sflag:$0x1] =	stream.indirect.gather [hbm4b:s5+s6], $0x80, s2, s6, $0xb8;
	[tilespmem:$0x4080] =	vst v63  }
0x19: {  	_ =	swait.ge [sflag:s7], $0x4000  }
.Ltmp1:
0x1a: {  	[sflag:s7] =	ssyncset.done $0x0;
	(pc) =	sbr.rel @p0 .LBB2_1-.Ltmp1, $4  }
0x1b: {  	[sflag:s7] =	ssyncadd.s32 $0xFFFFC000  }
0x1c: {  	[hbm4b:s8+s2] =	stream.linear.scatter [tilespmem:s6], [sflag:$0x2], $0x4000, $0x38;
	[tilespmem:$0x4080] =	vst v63  }
0x1d: {  	_ =	swait.ge [sflag:s3], $0x4000  }
0x1e: {  	[sflag:s3] =	ssyncset.done $0x0  }
.LBB2_2:
0x1f: {  	[sflag:s3] =	ssyncadd.s32 $0xFFFFC000  }
0x20: {  	_ =	sfence.sel $0x180000  }
0x21: {  	[bflag:$0x0] =	sbarrier.arrive $0xFFFF  }
0x22: {  	p0 =	sne.s32 s0, $0x0;
	_ =	strace $0x9000004A  }
0x23: {  	s0 =	sadd.s32 @!p0 $0x100000, s1;
	[bflag:$0x2] =	sbarrier.arrive $0xFFFF  }
0x24: {  	[sflag:s0] =	ssyncadd.tile.s32 @!p0 $0x1;
	_ =	shalt  }
.Lfunc_end2:
_tile_overlayer_lowered:
.L_overlay_start_2:
0x25: {  	(tag) =	ssettag $0x2  }
0x26: {  	s0 =	rddreg [dreg:$0x0];
	s2 =	stileid.u32  }
0x27: {  	s1 =	rddreg [dreg:$0x1];
	p0 =	sne.s32 s2, $0x0  }
0x28: {  	s3 =	rddreg [dreg:$0x2];
	[bflag:$0x3] =	sbarrier.arrive $0xFFFF;
	s2 =	simm.s32 @!p0 $0x1C02  }
0x29: {  	[timem:s3], [sflag:s2] =	dma.local @!p0 [hbm:s0], s1  }
0x2a: {  	s0 =	simm.s32 @!p0 $0x2  }
0x2b: {  	_ =	swait.ge @!p0 [sflag:s0], s1  }
0x2c: {  	s1 =	ssub.s32 @!p0 $0x0, s1;
	[sflag:s0] =	ssyncset.done @!p0 $0x0  }
0x2d: {  	[sflag:s0] =	ssyncadd.s32 @!p0 s1  }
0x2e: {  	[bflag:$0x3] =	sbarrier.arrive $0xFFFF  }
0x2f: {  	_ =	shalt  }

// kernel: kernel.9.cloned.1.call-start
scs
__scs_entry_jumppad:
0x0: {  	(pc) =	sbr.rel $0x88, $3  }
0x1: {  	(tag) =	ssettag $0x0;
	lr =	simm.s32 $0x1  }
0x2: {  	[smem:$0x3F9C] =	sst lr;
	_ =	strace $0xD0000000  }
0x3: {  	_ = 	snop  }
0x4: {  	_ = 	snop  }
0x5: {  	_ = 	snop  }
0x6: {  	_ = 	snop  }
0x7: {  	_ = 	snop  }
__scs_overlays_trampoline_lowered:
0x8: {  	[smem:$0x3FAB] =	sst s0  }
0x9: {  	[smem:$0x3FAC] =	sst s1  }
0xa: {  	[smem:$0x3FAD] =	sst s2  }
0xb: {  	[smem:$0x3FAE] =	sst s3  }
0xc: {  	[smem:$0x3FAF] =	sst s4  }
0xd: {  	[smem:$0x3FB0] =	sst s5  }
0xe: {  	[smem:$0x3FB1] =	sst s6  }
0xf: {  	[smem:$0x3FB2] =	sst s7  }
0x10: {  	[smem:$0x3FB3] =	sst s8  }
0x11: {  	[smem:$0x3FB4] =	sst s9;
	s0 =	simm.s32 @!p0 $0x0  }
0x12: {  	s1 =	sld [smem:$0x3F9A];
	s0 =	simm.s32 @p0 $0x1  }
0x13: {  	[smem:$0x3FB5] =	sst s0;
	s0 =	simm.s32 @!p1 $0x0  }
0x14: {  	s2 =	sld [smem:$0x3F99];
	s0 =	simm.s32 @p1 $0x1  }
0x15: {  	[smem:$0x3FB6] =	sst s0;
	s0 =	simm.s32 @!p2 $0x0  }
0x16: {  	s3 =	sld [smem:$0x3FDB];
	s0 =	simm.s32 @p2 $0x1  }
0x17: {  	s4 =	simm.s32 $0x1BF5;
	[smem:$0x3FB8] =	sst s0  }
0x18: {  	s0 =	sld [smem:$0x3F9B];
	_ =	swait.ge [sflag:s4], $0x0  }
0x19: {  	s7 =	sld [smem:$0x3F9C]  }
0x1a: {  	s8 =	sadd.s32 $0xFFFFE003, lr  }
0x1b: {  	s9 =	sadd.s32 $0xFFFFFEF7, lr;
	s5 =	simm.s32 $0xFFFFFFFF;
	p2 =	slt.u32 s8, $0xFFFFF086  }
0x1c: {  	p1 =	slt.u32 s9, $0xF7A;
	s5 =	simm.s32 @!p2 $0x0  }
0x1d: {  	s5 =	simm.s32 @p1 $0x1;
	p0 =	seq.s32 s7, s2  }
0x1e: {  	s7 =	smul.u32 @!p0 $0xF7A, s2;
	p2 =	seq.s32 @!p0 s5, $0x0  }
0x1f: {  	s9 =	smul.u32 $0xF7A, s1;
	s8 =	simm.s32 @!p0 $0x1BF5;
	p2 =	por !p2, p0  }
0x20: {  	[sflag:s8] =	ssyncset.s32 @!p0 $0xFFFFF086;
	s6 =	sadd.s32 @!p0 s3, s7;
	s7 =	simm.s32 @!p0 $0x108  }
0x21: {  	s3 =	sadd.s32 s3, s9;
	s6 =	sadd.s32 @!p0 $0x88, s6;
	s7 =	simm.s32 @p2 $0x1082  }
0x22: {  	[simem:s7], [sflag:s8] =	dma.local @!p0 [hbm:s6], $0xF7A  }
0x23: {  	s9 =	sor.u32 $0xD0000000, s2;
	s6 =	simm.s32 $0x108;
	_ =	swait.ge @!p0 [sflag:s8], $0x0  }
0x24: {  	s3 =	sadd.s32 $0x88, s3;
	s6 =	simm.s32 @!p1 $0x1082;
	[sflag:s4] =	ssyncset.s32 $0xFFFFF086  }
0x25: {  	[simem:s6], [sflag:s4] =	dma.local [hbm:s3], $0xF7A  }
0x26: {  	[smem:$0x3F9C] =	sst s1;
	(tag) =	ssettag s2;
	_ =	strace s9  }
0x27: {  	s1 =	sld [smem:$0x3FAC]  }
0x28: {  	s2 =	sld [smem:$0x3FAD]  }
0x29: {  	s4 =	sld [smem:$0x3FAF]  }
0x2a: {  	p0 =	seq.s32 s5, $0x0;
	s5 =	sld [smem:$0x3FB0]  }
0x2b: {  	s6 =	sld [smem:$0x3FB1]  }
0x2c: {  	s7 =	sld [smem:$0x3FB2]  }
0x2d: {  	s3 =	simm.s32 $0x108;
	s8 =	sld [smem:$0x3FB3]  }
0x2e: {  	s3 =	simm.s32 @!p0 $0x1082;
	s9 =	sld [smem:$0x3FB4]  }
0x2f: {  	lr =	sadd.s32 s0, s3;
	s0 =	sld [smem:$0x3FAB]  }
0x30: {  	s3 =	sld [smem:$0x3FAE]  }
0x31: {  	[smem:$0x3FB7] =	sst s10  }
0x32: {  	s10 =	sld [smem:$0x3FB5];
	_ =	sdelay $0x3  }
0x33: {  	p0 =	seq.s32 s10, $0x1;
	s10 =	sld [smem:$0x3FB7];
	_ =	sdelay $0x3  }
0x34: {  	[smem:$0x3FB7] =	sst s10  }
0x35: {  	s10 =	sld [smem:$0x3FB6];
	_ =	sdelay $0x3  }
0x36: {  	p1 =	seq.s32 s10, $0x1;
	s10 =	sld [smem:$0x3FB7];
	_ =	sdelay $0x3  }
0x37: {  	[smem:$0x3FB7] =	sst s10  }
0x38: {  	s10 =	sld [smem:$0x3FB8]  }
0x39: {  	_ = 	snop;
	(pc) =	sbr.ind lr, $3  }
0x3a: {  	_ = 	snop  }
0x3b: {  	_ = 	snop  }
0x3c: {  	p2 =	seq.s32 s10, $0x1;
	s10 =	sld [smem:$0x3FB7]  }
0x3d: {  	_ =	shalt  }
0x3e: {  	_ =	shalt  }
0x3f: {  	_ =	shalt  }
0x40: {  	_ =	shalt  }
0x41: {  	_ =	shalt  }
0x42: {  	_ =	shalt  }
0x43: {  	_ =	shalt  }
0x44: {  	_ =	shalt  }
0x45: {  	_ =	shalt  }
0x46: {  	_ =	shalt  }
0x47: {  	_ =	shalt  }
0x48: {  	_ =	shalt  }
0x49: {  	_ =	shalt  }
0x4a: {  	_ =	shalt  }
0x4b: {  	_ =	shalt  }
0x4c: {  	_ =	shalt  }
0x4d: {  	_ =	shalt  }
0x4e: {  	_ =	shalt  }
0x4f: {  	_ =	shalt  }
0x50: {  	_ =	shalt  }
0x51: {  	_ =	shalt  }
0x52: {  	_ =	shalt  }
0x53: {  	_ =	shalt  }
0x54: {  	_ =	shalt  }
0x55: {  	_ =	shalt  }
0x56: {  	_ =	shalt  }
0x57: {  	_ =	shalt  }
0x58: {  	_ =	shalt  }
0x59: {  	_ =	shalt  }
0x5a: {  	_ =	shalt  }
0x5b: {  	_ =	shalt  }
0x5c: {  	_ =	shalt  }
0x5d: {  	_ =	shalt  }
0x5e: {  	_ =	shalt  }
0x5f: {  	_ =	shalt  }
0x60: {  	_ =	shalt  }
0x61: {  	_ =	shalt  }
0x62: {  	_ =	shalt  }
0x63: {  	_ =	shalt  }
0x64: {  	_ =	shalt  }
0x65: {  	_ =	shalt  }
0x66: {  	_ =	shalt  }
0x67: {  	_ =	shalt  }
0x68: {  	_ =	shalt  }
0x69: {  	_ =	shalt  }
0x6a: {  	_ =	shalt  }
0x6b: {  	_ =	shalt  }
0x6c: {  	_ =	shalt  }
0x6d: {  	_ =	shalt  }
0x6e: {  	_ =	shalt  }
0x6f: {  	_ =	shalt  }
0x70: {  	_ =	shalt  }
0x71: {  	_ =	shalt  }
0x72: {  	_ =	shalt  }
0x73: {  	_ =	shalt  }
0x74: {  	_ =	shalt  }
0x75: {  	_ =	shalt  }
0x76: {  	_ =	shalt  }
0x77: {  	_ =	shalt  }
0x78: {  	_ =	shalt  }
0x79: {  	_ =	shalt  }
0x7a: {  	_ =	shalt  }
0x7b: {  	_ =	shalt  }
0x7c: {  	_ =	shalt  }
0x7d: {  	_ =	shalt  }
0x7e: {  	_ =	shalt  }
0x7f: {  	_ =	shalt  }
0x80: {  	_ =	shalt  }
0x81: {  	_ =	shalt  }
0x82: {  	_ =	shalt  }
0x83: {  	_ =	shalt  }
0x84: {  	_ =	shalt  }
0x85: {  	_ =	shalt  }
0x86: {  	_ =	shalt  }
0x87: {  	_ =	shalt  }
.Lfunc_end0:
.L_simem_size_0:
called_computation_lowered:
.L_overlay_start_0:
0x88: {  	s2 =	sld [smem:$0x3FD9]  }
0x89: {  	s3 =	sld [smem:$0x3FFE];
	_ =	sdelay $0x1  }
0x8a: {  	s1 =	srdreg.scid  }
0x8b: {  	s0 =	sand.u32 $0x1, s1  }
0x8c: {  	s16 =	sshll.u32 s0, $0xA;
	s2 =	sadd.s32 s3, s2  }
0x8d: {  	s2 =	sadd.s32 s2, s16  }
0x8e: {  	[smem:$0x3FC3] =	sst s2  }
0x8f: {  	_ = 	snop  }
0x90: {  	(tm) =	ssettm $0x1  }
0x91: {  	s17 =	sld [smem:$0x3FFB];
	_ =	sdelay $0x3  }
0x92: {  	_ =	strace s17  }
0x93: {  	s2 =	sld [smem:$0x3FFC];
	_ =	sdelay $0x3  }
0x94: {  	_ =	strace s2  }
0x95: {  	s2 =	sld [smem:$0x3FFD];
	_ =	sdelay $0x3  }
0x96: {  	_ =	strace s2  }
0x97: {  	_ =	strace $0x8FFFFFFF  }
0x98: {  	s18 =	sld [smem:$0x3FDB];
	_ =	sdelay $0x1  }
0x99: {  	s19 =	simm.s32 $_scs_section_size  }
0x9a: {  	s4 =	simm.s32 $_size__tile_overlayer_lowered;
	s5 =	simm.s32 $_tile_overlayer_lowered  }
0x9b: {  	s22 =	simm.s32 $0x1BFF;
	s21 =	sshll.u32 s5, $0x1;
	s2 =	sadd.s32 s19, s18  }
0x9c: {  	s6 =	simm.s32 $0x0;
	s20 =	sshll.u32 s4, $0x1;
	s4 =	sadd.s32 s21, s2  }
0x9d: {  	[timem:s6], [sflag:s22] =	dma.local [hbm:s4], s20  }
0x9e: {  	_ =	swait.ge [sflag:s22], s20  }
0x9f: {  	s3 =	ssub.s32 $0x0, s20;
	[sflag:s22] =	ssyncset.done $0x0  }
0xa0: {  	[sflag:s22] =	ssyncadd.s32 s3;
	_ =	sdelay $0x1  }
0xa1: {  	s23 =	simm.s32 $0x1B8B  }
0xa2: {  	_ =	swait.ge [sflag:s23], $0x1  }
0xa3: {  	[sflag:s23] =	ssyncset.done $0x0  }
0xa4: {  	s25 =	simm.s32 $0x1B8E;
	s24 =	sld [smem:$0x3FFE];
	[sflag:s23] =	ssyncadd.s32 $0xFFFFFFFF  }
0xa5: {  	s26 =	simm.s32 $execute0_lowered;
	[smem:$0x3FD2] =	sst s25  }
0xa6: {  	s4 =	sshll.u32 s26, $0x1;
	_ =	strace $0x80000046;
	[dreg:$0x1] =	wrdreg $0xFFFFFFFF  }
0xa7: {  	s28 =	simm.s32 $_size_execute0_lowered;
	s2 =	sadd.s32 s2, s4;
	[dreg:$0x0] =	wrdreg $0x0  }
0xa8: {  	s4 =	sshll.u32 s28, $0x1;
	[dreg:$0x2] =	wrdreg s2  }
0xa9: {  	[dreg:$0x3] =	wrdreg s4  }
0xaa: {  	[dreg:$0x4] =	wrdreg $0xC0  }
0xab: {  	_ =	task [dreg:s6], $0x5FFFF  }
0xac: {  	[dreg:$0x1] =	wrdreg $0xFFFFFFFF  }
0xad: {  	[dreg:$0x0] =	wrdreg $0x60  }
0xae: {  	[dreg:$0x2] =	wrdreg s24  }
0xaf: {  	[dreg:$0x3] =	wrdreg $0x9  }
0xb0: {  	_ =	task.clear_ibuf [dreg:s6], $0x4FFFF;
	_ =	strace $0x90000046  }
0xb1: {  	s29 =	simm.s32 $0x9;
	_ =	strace $0x80000048  }
0xb2: {  	_ =	swait.ge [sflag:s29], $0x1  }
0xb3: {  	[sflag:s29] =	ssyncadd.s32 $0xFFFFFFFF  }
0xb4: {  	_ =	strace $0x90000048  }
0xb5: {  	_ =	sfence  }
0xb6: {  	s30 =	sld [smem:$0x0];
	_ =	sdelay $0x2  }
0xb7: {  	s31 =	sshll.u32 s1, $0xD;
	s1 =	sshrl.u32 s1, $0x2  }
0xb8: {  	s3 =	sand.u32 $0x4000, s31;
	s1 =	sadd.s32 s1, s30  }
0xb9: {  	s0 =	sor.u32 s3, s0;
	s1 =	sshll.u32 s1, $0x11  }
0xba: {  	s0 =	sor.u32 s1, s0  }
0xbb: {  	s0 =	sadd.s32 $0x8F2B, s0  }
0xbc: {  	[sflag:s0] =	ssyncadd.remote.s32 $0x1  }
0xbd: {  	_ =	sfence.sel $0xFFFF  }
0xbe: {  	[dreg:$0x0] =	wrdreg $0xFFFFFFFF;
	(pc) =	sbr.abs _section_cstart, $3  }
0xbf: {  	[dreg:$0x1] =	wrdreg $0xFFFFFFFF  }
0xc0: {  	_ =	task.clear_ibuf [dreg:s6], $0x2FFFF;
	_ =	strace $0x9FFFFFFF  }
0xc1: {  	(tm) =	ssettm $0x7FFFFFFF  }
tec
execute0_lowered:
.L_overlay_start_1:
0x0: {  	(tag) =	ssettag $0x1  }
0x1: {  	s1 =	srdreg.scid;
	s0 =	stileid.u32  }
0x2: {  	s20 =	sand.u32 $0x1, s1;
	s3 =	sshll.u32 s0, $0x1  }
0x3: {  	s19 =	rddreg [dreg:$0x0];
	s2 =	simm.s32 $0x0;
	s21 =	sor.u32 s20, s3  }
0x4: {  	[smem:$0x7FF] =	sst s2;
	s3 =	sshll.u32 s21, $0x4  }
0x5: {  	s1 =	rddreg [dreg:$0x1];
	_ =	strace $0x80000047;
	s3 =	sadd.s32 s3, s19  }
0x6: {  	s5 =	smul.u32 $0x50, s21;
	s4 =	sadd.s32 $0x7AA000, s3;
	s3 =	simm.s32 $0x2  }
0x7: {  	[tilespmem:s2], [sflag:$0x2] =	stream.linear.gather [hbm4b:s4+s2], $0x80, $0x38;
	[tilespmem:$0x18300] =	vst v63  }
0x8: {  	_ =	swait.ge [sflag:s3], $0x80  }
0x9: {  	s5 =	sadd.s32 s5, s19;
	[sflag:s3] =	ssyncset.done $0x0  }
0xa: {  	s6 =	simm.s32 $0x80;
	s5 =	sadd.s32 $0x7A9600, s5;
	[sflag:s3] =	ssyncadd.s32 $0xFFFFFF80  }
0xb: {  	[tilespmem:s6], [sflag:$0x2] =	stream.linear.gather [hbm4b:s5+s2], $0x280, $0x38;
	[tilespmem:$0x18300] =	vst v63  }
0xc: {  	_ =	swait.ge [sflag:s3], $0x280  }
0xd: {  	[sflag:s3] =	ssyncset.done $0x0  }
0xe: {  	s8 =	simm.s32 $0x300;
	s7 =	sadd.s32 $0x1600, s19;
	[sflag:s3] =	ssyncadd.s32 $0xFFFFFD80  }
0xf: {  	[tilespmem:s8], [sflag:$0x1] =	stream.indirect.gather [hbm4b:s7+s6], $0x80, s2, s6, $0xb8;
	[tilespmem:$0x18300] =	vst v63  }
0x10: {  	s9 =	simm.s32 $0x4300  }
0x11: {  	[tilespmem:s9], [sflag:$0x1] =	stream.indirect.gather [hbm4b:s7+s6], $0x80, s6, s6, $0xb8;
	[tilespmem:$0x18300] =	vst v63  }
0x12: {  	s10 =	simm.s32 $0x100;
	s11 =	simm.s32 $0x8300  }
0x13: {  	[tilespmem:s11], [sflag:$0x1] =	stream.indirect.gather [hbm4b:s7+s6], $0x80, s10, s6, $0xb8;
	[tilespmem:$0x18300] =	vst v63  }
0x14: {  	s12 =	simm.s32 $0x180;
	s13 =	simm.s32 $0xC300  }
0x15: {  	[tilespmem:s13], [sflag:$0x1] =	stream.indirect.gather [hbm4b:s7+s6], $0x80, s12, s6, $0xb8;
	[tilespmem:$0x18300] =	vst v63  }
0x16: {  	s14 =	simm.s32 $0x200;
	s15 =	simm.s32 $0x10300  }
0x17: {  	[tilespmem:s15], [sflag:$0x1] =	stream.indirect.gather [hbm4b:s7+s6], $0x80, s14, s6, $0xb8;
	[tilespmem:$0x18300] =	vst v63  }
0x18: {  	s16 =	simm.s32 $0x280;
	s17 =	simm.s32 $0x14300;
	s18 =	simm.s32 $0x1  }
0x19: {  	[tilespmem:s17], [sflag:$0x1] =	stream.indirect.gather [hbm4b:s7+s6], $0x80, s16, s6, $0xb8;
	[tilespmem:$0x18300] =	vst v63  }
0x1a: {  	_ =	swait.ge [sflag:s18], $0x4000  }
0x1b: {  	[sflag:s18] =	ssyncset.done $0x0  }
0x1c: {  	[sflag:s18] =	ssyncadd.s32 $0xFFFFC000  }
0x1d: {  	_ =	swait.ge [sflag:s18], $0x4000  }
0x1e: {  	[sflag:s18] =	ssyncset.done $0x0  }
0x1f: {  	[sflag:s18] =	ssyncadd.s32 $0xFFFFC000  }
0x20: {  	_ =	swait.ge [sflag:s18], $0x4000  }
0x21: {  	[sflag:s18] =	ssyncset.done $0x0  }
0x22: {  	[sflag:s18] =	ssyncadd.s32 $0xFFFFC000  }
0x23: {  	_ =	swait.ge [sflag:s18], $0x4000  }
0x24: {  	[sflag:s18] =	ssyncset.done $0x0  }
0x25: {  	[sflag:s18] =	ssyncadd.s32 $0xFFFFC000  }
0x26: {  	_ =	swait.ge [sflag:s18], $0x4000  }
0x27: {  	[sflag:s18] =	ssyncset.done $0x0  }
0x28: {  	s22 =	sadd.s32 $0x7AA200, s19;
	s20 =	ssub.s32 $0x2, s20;
	[sflag:s18] =	ssyncadd.s32 $0xFFFFC000  }
0x29: {  	s29 =	sshll.u32 s21, $0xB;
	s23 =	sshrl.u32 s20, $0x1;
	_ =	swait.ge [sflag:s18], $0x4000  }
0x2a: {  	s21 =	smul.u32 $0x14000, s21;
	s23 =	ssub.s32 s20, s23;
	[sflag:s18] =	ssyncset.done $0x0  }
0x2b: {  	s19 =	sadd.s32 s22, s29;
	s31 =	smax.u32 s23, $0x1;
	[sflag:s18] =	ssyncadd.s32 $0xFFFFC000  }
0x2c: {  	[hbm4b:s19+s2] =	stream.linear.scatter [tilespmem:s8], [sflag:$0x2], $0x4000, $0x38;
	[tilespmem:$0x18300] =	vst v63  }
0x2d: {  	s21 =	sshrl.u32 s21, $0x3;
	p0 =	sne.s32 s31, $0x1;
	_ =	swait.ge [sflag:s3], $0x4000  }
.Ltmp0:
0x2e: {  	s30 =	sadd.s32 s22, s21;
	[sflag:s3] =	ssyncset.done $0x0;
	(pc) =	sbr.rel @!p0 .LBB2_2-.Ltmp0, $4  }
0x2f: {  	s20 =	sadd.s32 $0x10000, s30;
	[sflag:s3] =	ssyncadd.s32 $0xFFFFC000  }
0x30: {  	[hbm4b:s20+s2] =	stream.linear.scatter [tilespmem:s9], [sflag:$0x2], $0x14000, $0x38;
	[tilespmem:$0x18300] =	vst v63  }
0x31: {  	_ =	swait.ge [sflag:s3], $0x14000  }
0x32: {  	s21 =	sadd.s32 $0xFFFFFFFF, s31;
	[sflag:s3] =	ssyncset.done $0x0  }
.LBB2_1:
0x33: {  	p0 =	sne.s32 s21, $0x1;
	s21 =	sadd.s32 $0xFFFFFFFF, s21;
	[sflag:s3] =	ssyncadd.s32 $0xFFFEC000  }
0x34: {  	[tilespmem:s2], [sflag:$0x2] =	stream.linear.gather [hbm4b:s4+s2], $0x80, $0x38;
	[tilespmem:$0x18300] =	vst v63  }
0x35: {  	_ =	swait.ge [sflag:s3], $0x80  }
0x36: {  	[sflag:s3] =	ssyncset.done $0x0  }
0x37: {  	[sflag:s3] =	ssyncadd.s32 $0xFFFFFF80  }
0x38: {  	[tilespmem:s6], [sflag:$0x2] =	stream.linear.gather [hbm4b:s5+s2], $0x280, $0x38;
	[tilespmem:$0x18300] =	vst v63  }
0x39: {  	_ =	swait.ge [sflag:s3], $0x280  }
0x3a: {  	[sflag:s3] =	ssyncset.done $0x0  }
0x3b: {  	[sflag:s3] =	ssyncadd.s32 $0xFFFFFD80  }
0x3c: {  	[tilespmem:s8], [sflag:$0x1] =	stream.indirect.gather [hbm4b:s7+s6], $0x80, s2, s6, $0xb8;
	[tilespmem:$0x18300] =	vst v63  }
0x3d: {  	_ = 	snop  }
0x3e: {  	[tilespmem:s9], [sflag:$0x1] =	stream.indirect.gather [hbm4b:s7+s6], $0x80, s6, s6, $0xb8;
	[tilespmem:$0x18300] =	vst v63  }
0x3f: {  	_ = 	snop  }
0x40: {  	[tilespmem:s11], [sflag:$0x1] =	stream.indirect.gather [hbm4b:s7+s6], $0x80, s10, s6, $0xb8;
	[tilespmem:$0x18300] =	vst v63  }
0x41: {  	_ = 	snop  }
0x42: {  	[tilespmem:s13], [sflag:$0x1] =	stream.indirect.gather [hbm4b:s7+s6], $0x80, s12, s6, $0xb8;
	[tilespmem:$0x18300] =	vst v63  }
0x43: {  	_ = 	snop  }
0x44: {  	[tilespmem:s15], [sflag:$0x1] =	stream.indirect.gather [hbm4b:s7+s6], $0x80, s14, s6, $0xb8;
	[tilespmem:$0x18300] =	vst v63  }
0x45: {  	_ = 	snop  }
0x46: {  	[tilespmem:s17], [sflag:$0x1] =	stream.indirect.gather [hbm4b:s7+s6], $0x80, s16, s6, $0xb8;
	[tilespmem:$0x18300] =	vst v63  }
0x47: {  	_ =	swait.ge [sflag:s18], $0x4000  }
0x48: {  	[sflag:s18] =	ssyncset.done $0x0  }
0x49: {  	[sflag:s18] =	ssyncadd.s32 $0xFFFFC000  }
0x4a: {  	_ =	swait.ge [sflag:s18], $0x4000  }
0x4b: {  	[sflag:s18] =	ssyncset.done $0x0  }
0x4c: {  	[sflag:s18] =	ssyncadd.s32 $0xFFFFC000  }
0x4d: {  	_ =	swait.ge [sflag:s18], $0x4000  }
0x4e: {  	[sflag:s18] =	ssyncset.done $0x0  }
0x4f: {  	[sflag:s18] =	ssyncadd.s32 $0xFFFFC000  }
0x50: {  	_ =	swait.ge [sflag:s18], $0x4000  }
0x51: {  	[sflag:s18] =	ssyncset.done $0x0  }
0x52: {  	[sflag:s18] =	ssyncadd.s32 $0xFFFFC000  }
0x53: {  	_ =	swait.ge [sflag:s18], $0x4000  }
0x54: {  	[sflag:s18] =	ssyncset.done $0x0  }
0x55: {  	[sflag:s18] =	ssyncadd.s32 $0xFFFFC000  }
0x56: {  	_ =	swait.ge [sflag:s18], $0x4000  }
0x57: {  	[sflag:s18] =	ssyncset.done $0x0  }
0x58: {  	[sflag:s18] =	ssyncadd.s32 $0xFFFFC000  }
0x59: {  	[hbm4b:s19+s2] =	stream.linear.scatter [tilespmem:s8], [sflag:$0x2], $0x4000, $0x38;
	[tilespmem:$0x18300] =	vst v63  }
0x5a: {  	_ =	swait.ge [sflag:s3], $0x4000  }
.Ltmp1:
0x5b: {  	[sflag:s3] =	ssyncset.done $0x0;
	(pc) =	sbr.rel @p0 .LBB2_1-.Ltmp1, $4  }
0x5c: {  	[sflag:s3] =	ssyncadd.s32 $0xFFFFC000  }
0x5d: {  	[hbm4b:s20+s2] =	stream.linear.scatter [tilespmem:s9], [sflag:$0x2], $0x14000, $0x38;
	[tilespmem:$0x18300] =	vst v63  }
0x5e: {  	_ =	swait.ge [sflag:s3], $0x14000  }
0x5f: {  	[sflag:s3] =	ssyncset.done $0x0  }
.LBB2_2:
0x60: {  	[sflag:s3] =	ssyncadd.s32 $0xFFFEC000  }
0x61: {  	_ =	sfence.sel $0x180000  }
0x62: {  	[bflag:$0x0] =	sbarrier.arrive $0xFFFF  }
0x63: {  	p0 =	sne.s32 s0, $0x0;
	_ =	strace $0x90000047  }
0x64: {  	s0 =	sadd.s32 @!p0 $0x100000, s1;
	[bflag:$0x2] =	sbarrier.arrive $0xFFFF  }
0x65: {  	[sflag:s0] =	ssyncadd.tile.s32 @!p0 $0x1;
	_ =	shalt  }
.Lfunc_end2:
_tile_overlayer_lowered:
.L_overlay_start_2:
0x66: {  	(tag) =	ssettag $0x2  }
0x67: {  	s0 =	rddreg [dreg:$0x0];
	s2 =	stileid.u32  }
0x68: {  	s1 =	rddreg [dreg:$0x1];
	p0 =	sne.s32 s2, $0x0  }
0x69: {  	s3 =	rddreg [dreg:$0x2];
	[bflag:$0x3] =	sbarrier.arrive $0xFFFF;
	s2 =	simm.s32 @!p0 $0x1C02  }
0x6a: {  	[timem:s3], [sflag:s2] =	dma.local @!p0 [hbm:s0], s1  }
0x6b: {  	s0 =	simm.s32 @!p0 $0x2  }
0x6c: {  	_ =	swait.ge @!p0 [sflag:s0], s1  }
0x6d: {  	s1 =	ssub.s32 @!p0 $0x0, s1;
	[sflag:s0] =	ssyncset.done @!p0 $0x0  }
0x6e: {  	[sflag:s0] =	ssyncadd.s32 @!p0 s1  }
0x6f: {  	[bflag:$0x3] =	sbarrier.arrive $0xFFFF  }
0x70: {  	_ =	shalt  }

</sc_bundles>
